<compile_context>
chip_gen: v7x
topology: tpu7x:2x2x1
jax: 0.10.2.dev20260603
libtpu: 0.0.44.dev20260713+nightly
codegen_flags: <defaults>
</compile_context>

<pallas_src>
import functools

import jax
import jax.numpy as jnp
from jax import lax
from jax.experimental import pallas as pl
from jax.experimental.pallas import tpu as pltpu
from jax.experimental.pallas import tpu_sc as plsc

N = 100000
D = 128
TOPK_K = 100

NPAD = 102400
ROWS = NPAD // 128
BN = 20480
GRID_MM = NPAD // BN
NUM_TILES = 32
CHUNK = NPAD // NUM_TILES
GROUPS = CHUNK // 16

INT_MIN = -2147483648
INT_MAX = 2147483647


BROWS = BN // 128


def _fused_body(q_ref, e_ref, a0_ref, a1_ref, a2_ref, a3_ref, a4_ref,
                qt_ref, qff_ref, qfc_ref, qfl_ref,
                kraw_ref, mask_ref, tbl):
    b = pl.program_id(0)

    @pl.when(b == 0)
    def _():
        def z(i, c):
            tbl[0, i] = 0
            tbl[1, i] = 0
            tbl[2, i] = 0
            return c
        lax.fori_loop(0, 32, z, 0)

        def mk(ref, row, n):
            def body(i, c):
                v = ref[i]
                w = v >> 5
                tbl[row, w] = tbl[row, w] | jnp.left_shift(1, v & 31)
                return c
            lax.fori_loop(0, n, body, 0)
        mk(qff_ref, 0, 200)
        mk(qfc_ref, 1, 500)
        mk(qfl_ref, 2, 50)

    s = lax.dot_general(q_ref[...], e_ref[...], (((1,), (1,)), ((), ())),
                        preferred_element_type=jnp.float32)
    bits = lax.bitcast_convert_type(s, jnp.int32)
    kraw_ref[...] = jnp.where(bits >= 0, bits, bits ^ INT_MAX)

    def lookup(col, row):
        hi = col >> 5
        lo = col & 31
        def sel(i, w):
            return jnp.where(hi == i, tbl[row, i], w)
        w = lax.fori_loop(0, 32, sel, jnp.zeros((BROWS, 128), jnp.int32))
        return (lax.shift_right_logical(w, lo) & 1) > 0

    mf = lookup(a2_ref[...], 0)
    mc = lookup(a3_ref[...], 1)
    ml = lookup(a4_ref[...], 2)
    qt = qt_ref[0]
    m = jnp.logical_and(jnp.logical_and(jnp.logical_or(mf, mc), ml),
                        jnp.logical_and(a0_ref[...] > qt, a1_ref[...] > 0))
    mask_ref[...] = m.astype(jnp.int32)


_fused_call = pl.pallas_call(
    _fused_body,
    grid=(GRID_MM,),
    in_specs=[
        pl.BlockSpec((1, D), lambda b: (0, 0)),
        pl.BlockSpec((BN, D), lambda b: (b, 0)),
        pl.BlockSpec((BROWS, 128), lambda b: (b, 0)),
        pl.BlockSpec((BROWS, 128), lambda b: (b, 0)),
        pl.BlockSpec((BROWS, 128), lambda b: (b, 0)),
        pl.BlockSpec((BROWS, 128), lambda b: (b, 0)),
        pl.BlockSpec((BROWS, 128), lambda b: (b, 0)),
        pl.BlockSpec(memory_space=pltpu.SMEM),
        pl.BlockSpec(memory_space=pltpu.SMEM),
        pl.BlockSpec(memory_space=pltpu.SMEM),
        pl.BlockSpec(memory_space=pltpu.SMEM),
    ],
    out_specs=[
        pl.BlockSpec((1, BN), lambda b: (0, b)),
        pl.BlockSpec((BROWS, 128), lambda b: (b, 0)),
    ],
    out_shape=[
        jax.ShapeDtypeStruct((1, NPAD), jnp.int32),
        jax.ShapeDtypeStruct((ROWS, 128), jnp.int32),
    ],
    scratch_shapes=[
        pltpu.SMEM((3, 32), jnp.int32),
    ],
)


KEY_NEGINF = -2139095041


def _thr_body(kraw_ref, mask_ref, keys_ref, t_ref, uk_scr):
    r = lax.broadcasted_iota(jnp.int32, (ROWS, 128), 0)
    c = lax.broadcasted_iota(jnp.int32, (ROWS, 128), 1)
    flat = r * 128 + c
    valid = flat < N

    key = jnp.where(mask_ref[...] > 0, kraw_ref[...], KEY_NEGINF)
    key = jnp.where(valid, key, INT_MIN)
    keys_ref[...] = key
    uk_scr[...] = lax.bitcast_convert_type(key, jnp.uint32) ^ jnp.uint32(
        0x80000000)

    def body(i, t_u):
        bit = jnp.broadcast_to(
            lax.shift_left(jnp.uint32(1), jnp.uint32(31 - i)), (1, 1))
        cand = t_u | bit
        cb = jnp.broadcast_to(cand, (ROWS, 128))
        cnt = jnp.sum((uk_scr[...] >= cb).astype(jnp.int32),
                      axis=(0, 1), keepdims=True)
        return jnp.where(cnt >= TOPK_K, cand, t_u)
    t_u = lax.fori_loop(0, 32, body, jnp.zeros((1, 1), jnp.uint32))
    t_i = lax.bitcast_convert_type(t_u ^ jnp.uint32(0x80000000), jnp.int32)
    t_ref[...] = jnp.broadcast_to(t_i, (8, 128))


_thr_call = pl.pallas_call(
    _thr_body,
    in_specs=[
        pl.BlockSpec((ROWS, 128), lambda: (0, 0)),
        pl.BlockSpec((ROWS, 128), lambda: (0, 0)),
    ],
    out_specs=[
        pl.BlockSpec((ROWS, 128), lambda: (0, 0)),
        pl.BlockSpec((8, 128), lambda: (0, 0)),
    ],
    out_shape=[
        jax.ShapeDtypeStruct((ROWS, 128), jnp.int32),
        jax.ShapeDtypeStruct((8, 128), jnp.int32),
    ],
    scratch_shapes=[
        pltpu.VMEM((ROWS, 128), jnp.uint32),
    ],
)


def _extract_body(k_h, t_h, ok_h, oi_h,
                  tvec, kv, bkg, big, bkt, bit_):
    wid = lax.axis_index("s") * 2 + lax.axis_index("c")
    base = wid * CHUNK

    pltpu.sync_copy(k_h.at[pl.ds(base, CHUNK)], kv)
    pltpu.sync_copy(t_h.at[pl.ds(0, 16)], tvec)

    intmin16 = jnp.full((16,), INT_MIN, jnp.int32)
    zeros16 = jnp.zeros((16,), jnp.int32)

    def init(i, c):
        sl = pl.ds(i * 16, 16)
        bkg[sl] = intmin16
        bkt[sl] = intmin16
        big[sl] = zeros16
        bit_[sl] = zeros16
        return c
    lax.fori_loop(0, 8, init, 0)

    t = tvec[...]
    lane = lax.iota(jnp.int32, 16)

    def body(g, carry):
        og, ct = carry
        sl = pl.ds(g * 16, 16)
        k = kv[sl]
        gidx = (base + g * 16) + lane
        mgt = k > t
        mtie = k == t
        cgt = jnp.cumsum(mgt.astype(jnp.int32))
        ctie = jnp.cumsum(mtie.astype(jnp.int32))
        pos_gt = og + cgt - 1
        rank_tie = ct + ctie - 1
        mt2 = jnp.logical_and(mtie, rank_tie < 128)
        pos_gt_s = jnp.where(mgt, pos_gt, 0)
        pos_tie_s = jnp.where(mt2, rank_tie, 0)
        plsc.store_scatter(bkg, [pos_gt_s], k, mask=mgt)
        plsc.store_scatter(big, [pos_gt_s], gidx, mask=mgt)
        plsc.store_scatter(bkt, [pos_tie_s], k, mask=mt2)
        plsc.store_scatter(bit_, [pos_tie_s], gidx, mask=mt2)
        return og + jnp.max(cgt), ct + jnp.max(ctie)
    lax.fori_loop(0, GROUPS, body, (0, 0))

    pltpu.sync_copy(bkg, ok_h.at[wid, 0])
    pltpu.sync_copy(bkt, ok_h.at[wid, 1])
    pltpu.sync_copy(big, oi_h.at[wid, 0])
    pltpu.sync_copy(bit_, oi_h.at[wid, 1])


@functools.cache
def _make_extract_call():
    return functools.partial(
        pl.kernel,
        mesh=plsc.VectorSubcoreMesh(core_axis_name="c", subcore_axis_name="s"),
        out_type=[
            jax.ShapeDtypeStruct((NUM_TILES, 2, 128), jnp.int32),
            jax.ShapeDtypeStruct((NUM_TILES, 2, 128), jnp.int32),
        ],
        compiler_params=pltpu.CompilerParams(needs_layout_passes=False),
        scratch_types=[
            pltpu.VMEM((16,), jnp.int32),
            pltpu.VMEM((CHUNK,), jnp.int32),
            pltpu.VMEM((128,), jnp.int32),
            pltpu.VMEM((128,), jnp.int32),
            pltpu.VMEM((128,), jnp.int32),
            pltpu.VMEM((128,), jnp.int32),
        ],
    )(_extract_body)


POOL_ROWS = NUM_TILES * 2 * 128 // 128


def _merge_body(pk_ref, pi_ref, vals_ref, idxs_ref, scr_ref):
    vals_ref[...] = jnp.zeros((128, 1), jnp.float32)
    idxs_ref[...] = jnp.zeros((128, 1), jnp.int32)
    scr_ref[...] = pk_ref[...]

    def body(k, carry):
        pk = scr_ref[...]
        pi = pi_ref[...]
        m = jnp.max(pk, axis=(0, 1), keepdims=True)
        mb = jnp.broadcast_to(m, (POOL_ROWS, 128))
        idx = jnp.min(jnp.where(pk == mb, pi, INT_MAX),
                      axis=(0, 1), keepdims=True)
        ib = jnp.broadcast_to(idx, (POOL_ROWS, 128))
        vbits = jnp.where(m >= 0, m, m ^ INT_MAX)
        val = lax.bitcast_convert_type(vbits, jnp.float32)
        vals_ref[pl.ds(k, 1), :] = val
        idxs_ref[pl.ds(k, 1), :] = idx
        scr_ref[...] = jnp.where(
            jnp.logical_and(pk == mb, pi == ib), INT_MIN, pk)
        return carry
    lax.fori_loop(0, TOPK_K, body, 0)


_merge_call = pl.pallas_call(
    _merge_body,
    in_specs=[
        pl.BlockSpec((POOL_ROWS, 128), lambda: (0, 0)),
        pl.BlockSpec((POOL_ROWS, 128), lambda: (0, 0)),
    ],
    out_specs=[
        pl.BlockSpec((128, 1), lambda: (0, 0)),
        pl.BlockSpec((128, 1), lambda: (0, 0)),
    ],
    out_shape=[
        jax.ShapeDtypeStruct((128, 1), jnp.float32),
        jax.ShapeDtypeStruct((128, 1), jnp.int32),
    ],
    scratch_shapes=[
        pltpu.VMEM((POOL_ROWS, 128), jnp.int32),
    ],
)


def kernel(item_embeddings, item_attributes, item_ids, query,
           qf_time, qf_followed, qf_connected, qf_language):
    attrs = jnp.pad(item_attributes.astype(jnp.int32), ((0, NPAD - N), (0, 0)))
    a0 = attrs[:, 0].reshape(ROWS, 128)
    a1 = attrs[:, 1].reshape(ROWS, 128)
    a2 = attrs[:, 2].reshape(ROWS, 128)
    a3 = attrs[:, 3].reshape(ROWS, 128)
    a4 = attrs[:, 4].reshape(ROWS, 128)

    kraw, mask = _fused_call(
        query, item_embeddings, a0, a1, a2, a3, a4,
        qf_time.astype(jnp.int32), qf_followed.astype(jnp.int32),
        qf_connected.astype(jnp.int32), qf_language.astype(jnp.int32))
    keys, tsplat = _thr_call(kraw.reshape(ROWS, 128), mask)
    pool_k, pool_i = _make_extract_call()(keys.reshape(NPAD),
                                          tsplat.reshape(1024))
    vals, idxs = _merge_call(pool_k.reshape(POOL_ROWS, 128),
                             pool_i.reshape(POOL_ROWS, 128))
    return vals[:TOPK_K], idxs[:TOPK_K, 0]

# --- scband reference (transcript-rebuilt; emitter-appended) ---
"""Pipeline reference for scband-similarity-ebr-6442450944543 (READ-ONLY COPY).

The authoritative reference and input builder live on the scoring server;
editing this copy changes nothing except your own understanding.
"""

import jax, jax.numpy as jnp
import numpy as np

N = 100000
D = 128
TOPK = 100


def setup_inputs(seed: int = 0) -> dict:
    key = jax.random.key(seed)
    k1, k2, k3, k4, k5, k6, k7 = jax.random.split(key, 7)
    item_embeddings = jax.random.normal(k1, (N, D), dtype=jnp.float32)
    item_attributes = jax.random.randint(k2, (N, 5), 0, 1000)
    item_ids = jnp.arange(N)
    query = jax.random.normal(k3, (1, D), dtype=jnp.float32)
    qf_time = jax.random.randint(k4, (1,), 0, 10)
    qf_followed = jax.random.randint(k5, (200,), 0, 1000)
    qf_connected = jax.random.randint(k6, (500,), 0, 1000)
    qf_language = jax.random.randint(k7, (50,), 0, 1000)
    return {
        "item_embeddings": item_embeddings,
        "item_attributes": item_attributes,
        "item_ids": item_ids,
        "query": query,
        "qf_time": qf_time,
        "qf_followed": qf_followed,
        "qf_connected": qf_connected,
        "qf_language": qf_language,
    }


def reference(item_embeddings, item_attributes, item_ids, query,
              qf_time, qf_followed, qf_connected, qf_language):
    # similarities = item_embeddings @ query.T  -> [N, 1]
    similarities = jnp.matmul(item_embeddings, query.T)
    creation_time_filter = item_attributes[:, 0] > qf_time[0]
    is_spam_filter = item_attributes[:, 1] > 0
    author_urn_followed_filter = jnp.isin(item_attributes[:, 2], qf_followed)
    author_urn_connected_filter = jnp.isin(item_attributes[:, 3], qf_connected)
    language_filter = jnp.isin(item_attributes[:, 4], qf_language)
    author_filter = jnp.logical_or(author_urn_followed_filter, author_urn_connected_filter)
    match = jnp.logical_and(author_filter, language_filter)
    match = jnp.logical_and(match, creation_time_filter)
    match = jnp.logical_and(match, is_spam_filter)
    match = match[:, None]  # unsqueeze(0).T == [N, 1]
    filtered = jnp.where(match, similarities, -jnp.inf)
    # torch.topk(filtered, topk, dim=0) on [N, 1]
    scores_1d, indices_1d = jax.lax.top_k(filtered[:, 0], TOPK)
    scores = scores_1d[:, None]
    topk_ids = jnp.take(item_ids, indices_1d, axis=0)
    return (scores, topk_ids)

if __name__ == "__main__":
    import jax
    _d = setup_inputs()
    print(jax.jit(kernel)(*tuple(_d.values())))

</pallas_src>

<mosaic_0001>
#map = affine_map<(d0, d1) -> (0)>
#map1 = affine_map<(d0, d1) -> (0, 0, 0)>
module attributes {stable_mosaic.version = 14 : i64} {
  func.func @_extract_body(%arg0: i32, %arg1: i32, %arg2: memref<102400xi32, #tpu.memory_space<hbm>>, %arg3: memref<1024xi32, #tpu.memory_space<hbm>>, %arg4: memref<32x2x128xi32, #tpu.memory_space<hbm>>, %arg5: memref<32x2x128xi32, #tpu.memory_space<hbm>>, %arg6: memref<16xi32, #tpu.memory_space<vmem>>, %arg7: memref<3200xi32, #tpu.memory_space<vmem>>, %arg8: memref<128xi32, #tpu.memory_space<vmem>>, %arg9: memref<128xi32, #tpu.memory_space<vmem>>, %arg10: memref<128xi32, #tpu.memory_space<vmem>>, %arg11: memref<128xi32, #tpu.memory_space<vmem>>) attributes {dimension_semantics = [#tpu.dimension_semantics<core_parallel>, #tpu.dimension_semantics<subcore_parallel>], iteration_bounds = array<i64: 2, 16>, scalar_prefetch = 0 : i64, scratch_operands = 6 : i64, tpu.core_type = #tpu.core_type<sc_vector_subcore>, window_params = [{transform_indices = #map}, {transform_indices = #map}, {transform_indices = #map1}, {transform_indices = #map1}]} {
    %mul3A = arith.constant 2 : i32
    %mul3A_0 = arith.muli %arg1, %mul3A : i32
    %add3A = arith.addi %mul3A_0, %arg0 : i32
    %mul3A_1 = arith.constant 3200 : i32
    %mul3A_2 = arith.muli %add3A, %mul3A_1 : i32
    "tpu.region"() ({
      %run_scoped3A_23 = tpu.sem_alloc : memref<!tpu.dma_semaphore, #tpu.memory_space<semaphore_mem>>
      %dma_start3A = tpu.memref_slice %arg2[%mul3A_2] : memref<102400xi32, #tpu.memory_space<hbm>> -> memref<3200xi32, #tpu.memory_space<hbm>>
      %dma_start3A_24 = tpu.memref_slice %arg2[%mul3A_2] : memref<102400xi32, #tpu.memory_space<hbm>> -> memref<3200xi32, #tpu.memory_space<hbm>>
      tpu.enqueue_dma source(%dma_start3A_24 : memref<3200xi32, #tpu.memory_space<hbm>>) target(%arg7 : memref<3200xi32, #tpu.memory_space<vmem>>) target_semaphore(%run_scoped3A_23 : memref<!tpu.dma_semaphore, #tpu.memory_space<semaphore_mem>>)
      %dma_wait3A = tpu.memref_slice %arg2[%mul3A_2] : memref<102400xi32, #tpu.memory_space<hbm>> -> memref<3200xi32, #tpu.memory_space<hbm>>
      %dma_wait3A_25 = tpu.memref_slice %arg2[%mul3A_2] : memref<102400xi32, #tpu.memory_space<hbm>> -> memref<3200xi32, #tpu.memory_space<hbm>>
      tpu.wait_dma2 semaphore(%run_scoped3A_23 : memref<!tpu.dma_semaphore, #tpu.memory_space<semaphore_mem>>) src(%dma_wait3A_25 : memref<3200xi32, #tpu.memory_space<hbm>>) dst(%arg7 : memref<3200xi32, #tpu.memory_space<vmem>>)
      tpu.yield
    }) : () -> ()
    "tpu.region"() ({
      %run_scoped3A_23 = tpu.sem_alloc : memref<!tpu.dma_semaphore, #tpu.memory_space<semaphore_mem>>
      %dma_start3A = arith.constant 0 : i32
      %dma_start3A_24 = tpu.memref_slice %arg3[%dma_start3A] : memref<1024xi32, #tpu.memory_space<hbm>> -> memref<16xi32, #tpu.memory_space<hbm>>
      %dma_start3A_25 = arith.constant 0 : i32
      %dma_start3A_26 = tpu.memref_slice %arg3[%dma_start3A_25] : memref<1024xi32, #tpu.memory_space<hbm>> -> memref<16xi32, #tpu.memory_space<hbm>>
      tpu.enqueue_dma source(%dma_start3A_26 : memref<16xi32, #tpu.memory_space<hbm>>) target(%arg6 : memref<16xi32, #tpu.memory_space<vmem>>) target_semaphore(%run_scoped3A_23 : memref<!tpu.dma_semaphore, #tpu.memory_space<semaphore_mem>>)
      %dma_wait3A = arith.constant 0 : i32
      %dma_wait3A_27 = tpu.memref_slice %arg3[%dma_wait3A] : memref<1024xi32, #tpu.memory_space<hbm>> -> memref<16xi32, #tpu.memory_space<hbm>>
      %dma_wait3A_28 = arith.constant 0 : i32
      %dma_wait3A_29 = tpu.memref_slice %arg3[%dma_wait3A_28] : memref<1024xi32, #tpu.memory_space<hbm>> -> memref<16xi32, #tpu.memory_space<hbm>>
      tpu.wait_dma2 semaphore(%run_scoped3A_23 : memref<!tpu.dma_semaphore, #tpu.memory_space<semaphore_mem>>) src(%dma_wait3A_29 : memref<16xi32, #tpu.memory_space<hbm>>) dst(%arg6 : memref<16xi32, #tpu.memory_space<vmem>>)
      tpu.yield
    }) : () -> ()
    %broadcast_in_dim3A = arith.constant -2147483648 : i32
    %broadcast_in_dim3A_3 = vector.broadcast %broadcast_in_dim3A : i32 to vector<16xi32>
    %broadcast_in_dim3A_4 = arith.constant 0 : i32
    %broadcast_in_dim3A_5 = vector.broadcast %broadcast_in_dim3A_4 : i32 to vector<16xi32>
    %scan3A = arith.constant 0 : i32
    %scan3A_6 = arith.constant 0 : i32
    %scan3A_7 = arith.constant 8 : i32
    %scan3A_8 = arith.addi %scan3A_6, %scan3A_7 : i32
    %scan3A_9 = arith.constant 1 : i32
    scf.for %scan3A_23 = %scan3A_6 to %scan3A_8 step %scan3A_9  : i32 {
      %mul3A_24 = arith.constant 16 : i32
      %mul3A_25 = arith.muli %scan3A_23, %mul3A_24 : i32
      %swap3A = arith.index_cast %mul3A_25 : i32 to index
      %swap3A_26 = tpu.vector_load %arg8[%swap3A] {strides = array<i32>} : memref<128xi32, #tpu.memory_space<vmem>>, vector<16xi32>,
      tpu.vector_store %arg8[%swap3A], %broadcast_in_dim3A_3 {strides = array<i32>} : memref<128xi32, #tpu.memory_space<vmem>>, vector<16xi32>,
      %swap3A_27 = arith.index_cast %mul3A_25 : i32 to index
      %swap3A_28 = tpu.vector_load %arg10[%swap3A_27] {strides = array<i32>} : memref<128xi32, #tpu.memory_space<vmem>>, vector<16xi32>,
      tpu.vector_store %arg10[%swap3A_27], %broadcast_in_dim3A_3 {strides = array<i32>} : memref<128xi32, #tpu.memory_space<vmem>>, vector<16xi32>,
      %swap3A_29 = arith.index_cast %mul3A_25 : i32 to index
      %swap3A_30 = tpu.vector_load %arg9[%swap3A_29] {strides = array<i32>} : memref<128xi32, #tpu.memory_space<vmem>>, vector<16xi32>,
      tpu.vector_store %arg9[%swap3A_29], %broadcast_in_dim3A_5 {strides = array<i32>} : memref<128xi32, #tpu.memory_space<vmem>>, vector<16xi32>,
      %swap3A_31 = arith.index_cast %mul3A_25 : i32 to index
      %swap3A_32 = tpu.vector_load %arg11[%swap3A_31] {strides = array<i32>} : memref<128xi32, #tpu.memory_space<vmem>>, vector<16xi32>,
      tpu.vector_store %arg11[%swap3A_31], %broadcast_in_dim3A_5 {strides = array<i32>} : memref<128xi32, #tpu.memory_space<vmem>>, vector<16xi32>,
    }
    %scan3A_10 = arith.constant 8 : i32
    %get3A = arith.constant 0 : index
    %get3A_11 = tpu.vector_load %arg6[%get3A] {strides = array<i32>} : memref<16xi32, #tpu.memory_space<vmem>>, vector<16xi32>,
    %iota3A = tpu.iota {dimensions = array<i32: 0>} : vector<16xi32>
    %scan3A_12 = arith.constant 0 : i32
    %scan3A_13 = arith.constant 0 : i32
    %scan3A_14 = arith.constant 0 : i32
    %scan3A_15 = arith.constant 200 : i32
    %scan3A_16 = arith.addi %scan3A_14, %scan3A_15 : i32
    %scan3A_17 = arith.constant 1 : i32
    %scan3A_18:2 = scf.for %scan3A_23 = %scan3A_14 to %scan3A_16 step %scan3A_17 iter_args(%scan3A_24 = %scan3A_12, %scan3A_25 = %scan3A_13) -> (i32, i32)  : i32 {
      %mul3A_26 = arith.constant 16 : i32
      %mul3A_27 = arith.muli %scan3A_23, %mul3A_26 : i32
      %get3A_28 = arith.index_cast %mul3A_27 : i32 to index
      %get3A_29 = tpu.vector_load %arg7[%get3A_28] {strides = array<i32>} : memref<3200xi32, #tpu.memory_space<vmem>>, vector<16xi32>,
      %mul3A_30 = arith.constant 16 : i32
      %mul3A_31 = arith.muli %scan3A_23, %mul3A_30 : i32
      %add3A_32 = arith.addi %mul3A_2, %mul3A_31 : i32
      %add3A_33 = vector.broadcast %add3A_32 : i32 to vector<16xi32>
      %add3A_34 = arith.addi %add3A_33, %iota3A : vector<16xi32>
      %gt3A = arith.cmpi sgt, %get3A_29, %get3A_11 : vector<16xi32>
      %eq3A = arith.cmpi eq, %get3A_29, %get3A_11 : vector<16xi32>
      %convert_element_type3A = arith.extui %gt3A : vector<16xi1> to vector<16xi32>
      %cumsum3A = arith.constant true
      %cumsum3A_35 = vector.broadcast %cumsum3A : i1 to vector<16xi1>
      %cumsum3A_36 = tpu.scan <sum>, %convert_element_type3A masked %cumsum3A_35 : vector<16xi32>, vector<16xi1> -> vector<16xi32>
      %convert_element_type3A_37 = arith.extui %eq3A : vector<16xi1> to vector<16xi32>
      %cumsum3A_38 = arith.constant true
      %cumsum3A_39 = vector.broadcast %cumsum3A_38 : i1 to vector<16xi1>
      %cumsum3A_40 = tpu.scan <sum>, %convert_element_type3A_37 masked %cumsum3A_39 : vector<16xi32>, vector<16xi1> -> vector<16xi32>
      %add3A_41 = vector.broadcast %scan3A_24 : i32 to vector<16xi32>
      %add3A_42 = arith.addi %add3A_41, %cumsum3A_36 : vector<16xi32>
      %sub3A = arith.constant 1 : i32
      %sub3A_43 = vector.broadcast %sub3A : i32 to vector<16xi32>
      %sub3A_44 = arith.subi %add3A_42, %sub3A_43 : vector<16xi32>
      %add3A_45 = vector.broadcast %scan3A_25 : i32 to vector<16xi32>
      %add3A_46 = arith.addi %add3A_45, %cumsum3A_40 : vector<16xi32>
      %sub3A_47 = arith.constant 1 : i32
      %sub3A_48 = vector.broadcast %sub3A_47 : i32 to vector<16xi32>
      %sub3A_49 = arith.subi %add3A_46, %sub3A_48 : vector<16xi32>
      %lt3A = arith.constant 128 : i32
      %lt3A_50 = vector.broadcast %lt3A : i32 to vector<16xi32>
      %lt3A_51 = arith.cmpi slt, %sub3A_49, %lt3A_50 : vector<16xi32>
      %and3A = arith.andi %eq3A, %lt3A_51 : vector<16xi1>
      %jit3A = arith.constant 0 : i32
      %broadcast_in_dim3A_52 = vector.broadcast %jit3A : i32 to vector<16xi32>
      %select_n3A = arith.select %gt3A, %sub3A_44, %broadcast_in_dim3A_52 : vector<16xi1>, vector<16xi32>
      %jit3A_53 = arith.constant 0 : i32
      %broadcast_in_dim3A_54 = vector.broadcast %jit3A_53 : i32 to vector<16xi32>
      %select_n3A_55 = arith.select %and3A, %sub3A_49, %broadcast_in_dim3A_54 : vector<16xi1>, vector<16xi32>
      tpu.vector_store_idx %arg8[%select_n3A], %get3A_29 masked %gt3A : memref<128xi32, #tpu.memory_space<vmem>>[vector<16xi32>], vector<16xi32>, vector<16xi1>
      tpu.vector_store_idx %arg9[%select_n3A], %add3A_34 masked %gt3A : memref<128xi32, #tpu.memory_space<vmem>>[vector<16xi32>], vector<16xi32>, vector<16xi1>
      tpu.vector_store_idx %arg10[%select_n3A_55], %get3A_29 masked %and3A : memref<128xi32, #tpu.memory_space<vmem>>[vector<16xi32>], vector<16xi32>, vector<16xi1>
      tpu.vector_store_idx %arg11[%select_n3A_55], %add3A_34 masked %and3A : memref<128xi32, #tpu.memory_space<vmem>>[vector<16xi32>], vector<16xi32>, vector<16xi1>
      %reduce_max3A = arith.constant true
      %reduce_max3A_56 = vector.broadcast %reduce_max3A : i1 to vector<16xi1>
      %reduce_max3A_57 = arith.constant -2147483648 : i32
      %reduce_max3A_58 = vector.broadcast %reduce_max3A_57 : i32 to vector<16xi32>
      %reduce_max3A_59 = arith.xori %cumsum3A_36, %reduce_max3A_58 : vector<16xi32>
      %reduce_max3A_60 = tpu.scan <max>, %reduce_max3A_59 masked %reduce_max3A_56 : vector<16xi32>, vector<16xi1> -> vector<16xi32>
      %reduce_max3A_61 = arith.xori %reduce_max3A_60, %reduce_max3A_58 : vector<16xi32>
      %reduce_max3A_62 = vector.extract %reduce_max3A_61[15] : i32 from vector<16xi32>
      %add3A_63 = arith.addi %scan3A_24, %reduce_max3A_62 : i32
      %reduce_max3A_64 = arith.constant true
      %reduce_max3A_65 = vector.broadcast %reduce_max3A_64 : i1 to vector<16xi1>
      %reduce_max3A_66 = arith.constant -2147483648 : i32
      %reduce_max3A_67 = vector.broadcast %reduce_max3A_66 : i32 to vector<16xi32>
      %reduce_max3A_68 = arith.xori %cumsum3A_40, %reduce_max3A_67 : vector<16xi32>
      %reduce_max3A_69 = tpu.scan <max>, %reduce_max3A_68 masked %reduce_max3A_65 : vector<16xi32>, vector<16xi1> -> vector<16xi32>
      %reduce_max3A_70 = arith.xori %reduce_max3A_69, %reduce_max3A_67 : vector<16xi32>
      %reduce_max3A_71 = vector.extract %reduce_max3A_70[15] : i32 from vector<16xi32>
      %add3A_72 = arith.addi %scan3A_25, %reduce_max3A_71 : i32
      scf.yield %add3A_63, %add3A_72 : i32, i32
    }
    %scan3A_19 = arith.constant 200 : i32
    %run_scoped3A = arith.constant 0 : i32
    "tpu.region"() ({
      %run_scoped3A_23 = tpu.sem_alloc : memref<!tpu.dma_semaphore, #tpu.memory_space<semaphore_mem>>
      %dma_start3A = arith.constant 0 : i32
      %dma_start3A_24 = tpu.memref_slice %arg4[%add3A, %run_scoped3A, %dma_start3A] : memref<32x2x128xi32, #tpu.memory_space<hbm>> -> memref<1x1x128xi32, #tpu.memory_space<hbm>>
      %dma_start3A_25 = tpu.memref_squeeze %dma_start3A_24 : memref<1x1x128xi32, #tpu.memory_space<hbm>> -> memref<128xi32, #tpu.memory_space<hbm>>
      %dma_start3A_26 = arith.constant 0 : i32
      %dma_start3A_27 = tpu.memref_slice %arg4[%add3A, %run_scoped3A, %dma_start3A_26] : memref<32x2x128xi32, #tpu.memory_space<hbm>> -> memref<1x1x128xi32, #tpu.memory_space<hbm>>
      %dma_start3A_28 = tpu.memref_squeeze %dma_start3A_27 : memref<1x1x128xi32, #tpu.memory_space<hbm>> -> memref<128xi32, #tpu.memory_space<hbm>>
      tpu.enqueue_dma source(%arg8 : memref<128xi32, #tpu.memory_space<vmem>>) target(%dma_start3A_28 : memref<128xi32, #tpu.memory_space<hbm>>) target_semaphore(%run_scoped3A_23 : memref<!tpu.dma_semaphore, #tpu.memory_space<semaphore_mem>>)
      %dma_wait3A = arith.constant 0 : i32
      %dma_wait3A_29 = tpu.memref_slice %arg4[%add3A, %run_scoped3A, %dma_wait3A] : memref<32x2x128xi32, #tpu.memory_space<hbm>> -> memref<1x1x128xi32, #tpu.memory_space<hbm>>
      %dma_wait3A_30 = tpu.memref_squeeze %dma_wait3A_29 : memref<1x1x128xi32, #tpu.memory_space<hbm>> -> memref<128xi32, #tpu.memory_space<hbm>>
      %dma_wait3A_31 = arith.constant 0 : i32
      %dma_wait3A_32 = tpu.memref_slice %arg4[%add3A, %run_scoped3A, %dma_wait3A_31] : memref<32x2x128xi32, #tpu.memory_space<hbm>> -> memref<1x1x128xi32, #tpu.memory_space<hbm>>
      %dma_wait3A_33 = tpu.memref_squeeze %dma_wait3A_32 : memref<1x1x128xi32, #tpu.memory_space<hbm>> -> memref<128xi32, #tpu.memory_space<hbm>>
      tpu.wait_dma2 semaphore(%run_scoped3A_23 : memref<!tpu.dma_semaphore, #tpu.memory_space<semaphore_mem>>) src(%arg8 : memref<128xi32, #tpu.memory_space<vmem>>) dst(%dma_wait3A_33 : memref<128xi32, #tpu.memory_space<hbm>>)
      tpu.yield
    }) : () -> ()
    %run_scoped3A_20 = arith.constant 1 : i32
    "tpu.region"() ({
      %run_scoped3A_23 = tpu.sem_alloc : memref<!tpu.dma_semaphore, #tpu.memory_space<semaphore_mem>>
      %dma_start3A = arith.constant 0 : i32
      %dma_start3A_24 = tpu.memref_slice %arg4[%add3A, %run_scoped3A_20, %dma_start3A] : memref<32x2x128xi32, #tpu.memory_space<hbm>> -> memref<1x1x128xi32, #tpu.memory_space<hbm>>
      %dma_start3A_25 = tpu.memref_squeeze %dma_start3A_24 : memref<1x1x128xi32, #tpu.memory_space<hbm>> -> memref<128xi32, #tpu.memory_space<hbm>>
      %dma_start3A_26 = arith.constant 0 : i32
      %dma_start3A_27 = tpu.memref_slice %arg4[%add3A, %run_scoped3A_20, %dma_start3A_26] : memref<32x2x128xi32, #tpu.memory_space<hbm>> -> memref<1x1x128xi32, #tpu.memory_space<hbm>>
      %dma_start3A_28 = tpu.memref_squeeze %dma_start3A_27 : memref<1x1x128xi32, #tpu.memory_space<hbm>> -> memref<128xi32, #tpu.memory_space<hbm>>
      tpu.enqueue_dma source(%arg10 : memref<128xi32, #tpu.memory_space<vmem>>) target(%dma_start3A_28 : memref<128xi32, #tpu.memory_space<hbm>>) target_semaphore(%run_scoped3A_23 : memref<!tpu.dma_semaphore, #tpu.memory_space<semaphore_mem>>)
      %dma_wait3A = arith.constant 0 : i32
      %dma_wait3A_29 = tpu.memref_slice %arg4[%add3A, %run_scoped3A_20, %dma_wait3A] : memref<32x2x128xi32, #tpu.memory_space<hbm>> -> memref<1x1x128xi32, #tpu.memory_space<hbm>>
      %dma_wait3A_30 = tpu.memref_squeeze %dma_wait3A_29 : memref<1x1x128xi32, #tpu.memory_space<hbm>> -> memref<128xi32, #tpu.memory_space<hbm>>
      %dma_wait3A_31 = arith.constant 0 : i32
      %dma_wait3A_32 = tpu.memref_slice %arg4[%add3A, %run_scoped3A_20, %dma_wait3A_31] : memref<32x2x128xi32, #tpu.memory_space<hbm>> -> memref<1x1x128xi32, #tpu.memory_space<hbm>>
      %dma_wait3A_33 = tpu.memref_squeeze %dma_wait3A_32 : memref<1x1x128xi32, #tpu.memory_space<hbm>> -> memref<128xi32, #tpu.memory_space<hbm>>
      tpu.wait_dma2 semaphore(%run_scoped3A_23 : memref<!tpu.dma_semaphore, #tpu.memory_space<semaphore_mem>>) src(%arg10 : memref<128xi32, #tpu.memory_space<vmem>>) dst(%dma_wait3A_33 : memref<128xi32, #tpu.memory_space<hbm>>)
      tpu.yield
    }) : () -> ()
    %run_scoped3A_21 = arith.constant 0 : i32
    "tpu.region"() ({
      %run_scoped3A_23 = tpu.sem_alloc : memref<!tpu.dma_semaphore, #tpu.memory_space<semaphore_mem>>
      %dma_start3A = arith.constant 0 : i32
      %dma_start3A_24 = tpu.memref_slice %arg5[%add3A, %run_scoped3A_21, %dma_start3A] : memref<32x2x128xi32, #tpu.memory_space<hbm>> -> memref<1x1x128xi32, #tpu.memory_space<hbm>>
      %dma_start3A_25 = tpu.memref_squeeze %dma_start3A_24 : memref<1x1x128xi32, #tpu.memory_space<hbm>> -> memref<128xi32, #tpu.memory_space<hbm>>
      %dma_start3A_26 = arith.constant 0 : i32
      %dma_start3A_27 = tpu.memref_slice %arg5[%add3A, %run_scoped3A_21, %dma_start3A_26] : memref<32x2x128xi32, #tpu.memory_space<hbm>> -> memref<1x1x128xi32, #tpu.memory_space<hbm>>
      %dma_start3A_28 = tpu.memref_squeeze %dma_start3A_27 : memref<1x1x128xi32, #tpu.memory_space<hbm>> -> memref<128xi32, #tpu.memory_space<hbm>>
      tpu.enqueue_dma source(%arg9 : memref<128xi32, #tpu.memory_space<vmem>>) target(%dma_start3A_28 : memref<128xi32, #tpu.memory_space<hbm>>) target_semaphore(%run_scoped3A_23 : memref<!tpu.dma_semaphore, #tpu.memory_space<semaphore_mem>>)
      %dma_wait3A = arith.constant 0 : i32
      %dma_wait3A_29 = tpu.memref_slice %arg5[%add3A, %run_scoped3A_21, %dma_wait3A] : memref<32x2x128xi32, #tpu.memory_space<hbm>> -> memref<1x1x128xi32, #tpu.memory_space<hbm>>
      %dma_wait3A_30 = tpu.memref_squeeze %dma_wait3A_29 : memref<1x1x128xi32, #tpu.memory_space<hbm>> -> memref<128xi32, #tpu.memory_space<hbm>>
      %dma_wait3A_31 = arith.constant 0 : i32
      %dma_wait3A_32 = tpu.memref_slice %arg5[%add3A, %run_scoped3A_21, %dma_wait3A_31] : memref<32x2x128xi32, #tpu.memory_space<hbm>> -> memref<1x1x128xi32, #tpu.memory_space<hbm>>
      %dma_wait3A_33 = tpu.memref_squeeze %dma_wait3A_32 : memref<1x1x128xi32, #tpu.memory_space<hbm>> -> memref<128xi32, #tpu.memory_space<hbm>>
      tpu.wait_dma2 semaphore(%run_scoped3A_23 : memref<!tpu.dma_semaphore, #tpu.memory_space<semaphore_mem>>) src(%arg9 : memref<128xi32, #tpu.memory_space<vmem>>) dst(%dma_wait3A_33 : memref<128xi32, #tpu.memory_space<hbm>>)
      tpu.yield
    }) : () -> ()
    %run_scoped3A_22 = arith.constant 1 : i32
    "tpu.region"() ({
      %run_scoped3A_23 = tpu.sem_alloc : memref<!tpu.dma_semaphore, #tpu.memory_space<semaphore_mem>>
      %dma_start3A = arith.constant 0 : i32
      %dma_start3A_24 = tpu.memref_slice %arg5[%add3A, %run_scoped3A_22, %dma_start3A] : memref<32x2x128xi32, #tpu.memory_space<hbm>> -> memref<1x1x128xi32, #tpu.memory_space<hbm>>
      %dma_start3A_25 = tpu.memref_squeeze %dma_start3A_24 : memref<1x1x128xi32, #tpu.memory_space<hbm>> -> memref<128xi32, #tpu.memory_space<hbm>>
      %dma_start3A_26 = arith.constant 0 : i32
      %dma_start3A_27 = tpu.memref_slice %arg5[%add3A, %run_scoped3A_22, %dma_start3A_26] : memref<32x2x128xi32, #tpu.memory_space<hbm>> -> memref<1x1x128xi32, #tpu.memory_space<hbm>>
      %dma_start3A_28 = tpu.memref_squeeze %dma_start3A_27 : memref<1x1x128xi32, #tpu.memory_space<hbm>> -> memref<128xi32, #tpu.memory_space<hbm>>
      tpu.enqueue_dma source(%arg11 : memref<128xi32, #tpu.memory_space<vmem>>) target(%dma_start3A_28 : memref<128xi32, #tpu.memory_space<hbm>>) target_semaphore(%run_scoped3A_23 : memref<!tpu.dma_semaphore, #tpu.memory_space<semaphore_mem>>)
      %dma_wait3A = arith.constant 0 : i32
      %dma_wait3A_29 = tpu.memref_slice %arg5[%add3A, %run_scoped3A_22, %dma_wait3A] : memref<32x2x128xi32, #tpu.memory_space<hbm>> -> memref<1x1x128xi32, #tpu.memory_space<hbm>>
      %dma_wait3A_30 = tpu.memref_squeeze %dma_wait3A_29 : memref<1x1x128xi32, #tpu.memory_space<hbm>> -> memref<128xi32, #tpu.memory_space<hbm>>
      %dma_wait3A_31 = arith.constant 0 : i32
      %dma_wait3A_32 = tpu.memref_slice %arg5[%add3A, %run_scoped3A_22, %dma_wait3A_31] : memref<32x2x128xi32, #tpu.memory_space<hbm>> -> memref<1x1x128xi32, #tpu.memory_space<hbm>>
      %dma_wait3A_33 = tpu.memref_squeeze %dma_wait3A_32 : memref<1x1x128xi32, #tpu.memory_space<hbm>> -> memref<128xi32, #tpu.memory_space<hbm>>
      tpu.wait_dma2 semaphore(%run_scoped3A_23 : memref<!tpu.dma_semaphore, #tpu.memory_space<semaphore_mem>>) src(%arg11 : memref<128xi32, #tpu.memory_space<vmem>>) dst(%dma_wait3A_33 : memref<128xi32, #tpu.memory_space<hbm>>)
      tpu.yield
    }) : () -> ()
    return
  }
}

module attributes {stable_mosaic.version = 14 : i64} {
  func.func @_merge_body(%arg0: memref<64x128xi32, #tpu.memory_space<vmem>>, %arg1: memref<64x128xi32, #tpu.memory_space<vmem>>, %arg2: memref<128x1xf32, #tpu.memory_space<vmem>>, %arg3: memref<128x1xi32, #tpu.memory_space<vmem>>, %arg4: memref<64x128xi32, #tpu.memory_space<vmem>>) attributes {dimension_semantics = [], scalar_prefetch = 0 : i64, scratch_operands = 1 : i64, tpu.core_type = #tpu.core_type<tc>} {
    %broadcast_in_dim3A = arith.constant 0.000000e+00 : f32
    %broadcast_in_dim3A_0 = vector.broadcast %broadcast_in_dim3A : f32 to vector<128x1xf32>
    %swap3A = arith.constant 0 : index
    %swap3A_1 = arith.constant 0 : index
    %swap3A_2 = vector.load %arg2[%swap3A, %swap3A_1] : memref<128x1xf32, #tpu.memory_space<vmem>>, vector<128x1xf32>
    tpu.vector_store %arg2[%swap3A, %swap3A_1], %broadcast_in_dim3A_0 {strides = array<i32>} : memref<128x1xf32, #tpu.memory_space<vmem>>, vector<128x1xf32>,
    %broadcast_in_dim3A_3 = arith.constant 0 : i32
    %broadcast_in_dim3A_4 = vector.broadcast %broadcast_in_dim3A_3 : i32 to vector<128x1xi32>
    %swap3A_5 = arith.constant 0 : index
    %swap3A_6 = arith.constant 0 : index
    %swap3A_7 = vector.load %arg3[%swap3A_5, %swap3A_6] : memref<128x1xi32, #tpu.memory_space<vmem>>, vector<128x1xi32>
    tpu.vector_store %arg3[%swap3A_5, %swap3A_6], %broadcast_in_dim3A_4 {strides = array<i32>} : memref<128x1xi32, #tpu.memory_space<vmem>>, vector<128x1xi32>,
    %get3A = arith.constant 0 : index
    %get3A_8 = arith.constant 0 : index
    %get3A_9 = vector.load %arg0[%get3A, %get3A_8] : memref<64x128xi32, #tpu.memory_space<vmem>>, vector<64x128xi32>
    %swap3A_10 = arith.constant 0 : index
    %swap3A_11 = arith.constant 0 : index
    %swap3A_12 = vector.load %arg4[%swap3A_10, %swap3A_11] : memref<64x128xi32, #tpu.memory_space<vmem>>, vector<64x128xi32>
    tpu.vector_store %arg4[%swap3A_10, %swap3A_11], %get3A_9 {strides = array<i32>} : memref<64x128xi32, #tpu.memory_space<vmem>>, vector<64x128xi32>,
    %scan3A = arith.constant 0 : i32
    %scan3A_13 = arith.constant 100 : i32
    %scan3A_14 = arith.addi %scan3A, %scan3A_13 : i32
    %scan3A_15 = arith.constant 1 : i32
    scf.for %scan3A_17 = %scan3A to %scan3A_14 step %scan3A_15  : i32 {
      %get3A_18 = arith.constant 0 : index
      %get3A_19 = arith.constant 0 : index
      %get3A_20 = vector.load %arg4[%get3A_18, %get3A_19] : memref<64x128xi32, #tpu.memory_space<vmem>>, vector<64x128xi32>
      %get3A_21 = arith.constant 0 : index
      %get3A_22 = arith.constant 0 : index
      %get3A_23 = vector.load %arg1[%get3A_21, %get3A_22] : memref<64x128xi32, #tpu.memory_space<vmem>>, vector<64x128xi32>
      %reduce_max3A = vector.shape_cast %get3A_20 : vector<64x128xi32> to vector<1x64x128xi32>
      %reduce_max3A_24 = arith.constant dense<-2147483648> : vector<1xi32>
      %reduce_max3A_25 = vector.multi_reduction <maxsi>, %reduce_max3A, %reduce_max3A_24 [1, 2] : vector<1x64x128xi32> to vector<1xi32>
      %reduce_max3A_26 = vector.shape_cast %reduce_max3A_25 : vector<1xi32> to vector<1x1x1xi32>
      %reduce_max3A_27 = vector.extract %reduce_max3A_26[0, 0, 0] : i32 from vector<1x1x1xi32>
      %broadcast_in_dim3A_28 = vector.broadcast %reduce_max3A_27 : i32 to vector<1x1xi32>
      %broadcast_in_dim3A_29 = vector.shape_cast %broadcast_in_dim3A_28 : vector<1x1xi32> to vector<1x1xi32>
      %broadcast_in_dim3A_30 = vector.broadcast %broadcast_in_dim3A_29 : vector<1x1xi32> to vector<64x128xi32>
      %eq3A = arith.cmpi eq, %get3A_20, %broadcast_in_dim3A_30 : vector<64x128xi32>
      %jit3A = arith.constant 2147483647 : i32
      %broadcast_in_dim3A_31 = vector.broadcast %jit3A : i32 to vector<64x128xi32>
      %select_n3A = arith.select %eq3A, %get3A_23, %broadcast_in_dim3A_31 : vector<64x128xi1>, vector<64x128xi32>
      %reduce_min3A = vector.shape_cast %select_n3A : vector<64x128xi32> to vector<1x64x128xi32>
      %reduce_min3A_32 = arith.constant dense<2147483647> : vector<1xi32>
      %reduce_min3A_33 = vector.multi_reduction <minsi>, %reduce_min3A, %reduce_min3A_32 [1, 2] : vector<1x64x128xi32> to vector<1xi32>
      %reduce_min3A_34 = vector.shape_cast %reduce_min3A_33 : vector<1xi32> to vector<1x1x1xi32>
      %reduce_min3A_35 = vector.extract %reduce_min3A_34[0, 0, 0] : i32 from vector<1x1x1xi32>
      %broadcast_in_dim3A_36 = vector.broadcast %reduce_min3A_35 : i32 to vector<1x1xi32>
      %broadcast_in_dim3A_37 = vector.shape_cast %broadcast_in_dim3A_36 : vector<1x1xi32> to vector<1x1xi32>
      %broadcast_in_dim3A_38 = vector.broadcast %broadcast_in_dim3A_37 : vector<1x1xi32> to vector<64x128xi32>
      %ge3A = arith.constant 0 : i32
      %ge3A_39 = vector.broadcast %ge3A : i32 to vector<1x1xi32>
      %ge3A_40 = arith.cmpi sge, %broadcast_in_dim3A_28, %ge3A_39 : vector<1x1xi32>
      %xor3A = arith.constant 2147483647 : i32
      %xor3A_41 = vector.broadcast %xor3A : i32 to vector<1x1xi32>
      %xor3A_42 = arith.xori %broadcast_in_dim3A_28, %xor3A_41 : vector<1x1xi32>
      %select_n3A_43 = arith.select %ge3A_40, %broadcast_in_dim3A_28, %xor3A_42 : vector<1x1xi1>, vector<1x1xi32>
      %bitcast_convert_type3A = tpu.bitcast %select_n3A_43 : vector<1x1xi32> -> vector<1x1xf32>
      %swap3A_44 = arith.index_cast %scan3A_17 : i32 to index
      %swap3A_45 = arith.constant 0 : index
      %swap3A_46 = vector.load %arg2[%swap3A_44, %swap3A_45] : memref<128x1xf32, #tpu.memory_space<vmem>>, vector<1x1xf32>
      tpu.vector_store %arg2[%swap3A_44, %swap3A_45], %bitcast_convert_type3A {strides = array<i32>} : memref<128x1xf32, #tpu.memory_space<vmem>>, vector<1x1xf32>,
      %swap3A_47 = arith.index_cast %scan3A_17 : i32 to index
      %swap3A_48 = arith.constant 0 : index
      %swap3A_49 = vector.load %arg3[%swap3A_47, %swap3A_48] : memref<128x1xi32, #tpu.memory_space<vmem>>, vector<1x1xi32>
      tpu.vector_store %arg3[%swap3A_47, %swap3A_48], %broadcast_in_dim3A_36 {strides = array<i32>} : memref<128x1xi32, #tpu.memory_space<vmem>>, vector<1x1xi32>,
      %eq3A_50 = arith.cmpi eq, %get3A_20, %broadcast_in_dim3A_30 : vector<64x128xi32>
      %eq3A_51 = arith.cmpi eq, %get3A_23, %broadcast_in_dim3A_38 : vector<64x128xi32>
      %and3A = arith.andi %eq3A_50, %eq3A_51 : vector<64x128xi1>
      %jit3A_52 = arith.constant -2147483648 : i32
      %broadcast_in_dim3A_53 = vector.broadcast %jit3A_52 : i32 to vector<64x128xi32>
      %select_n3A_54 = arith.select %and3A, %broadcast_in_dim3A_53, %get3A_20 : vector<64x128xi1>, vector<64x128xi32>
      %swap3A_55 = arith.constant 0 : index
      %swap3A_56 = arith.constant 0 : index
      %swap3A_57 = vector.load %arg4[%swap3A_55, %swap3A_56] : memref<64x128xi32, #tpu.memory_space<vmem>>, vector<64x128xi32>
      tpu.vector_store %arg4[%swap3A_55, %swap3A_56], %select_n3A_54 {strides = array<i32>} : memref<64x128xi32, #tpu.memory_space<vmem>>, vector<64x128xi32>,
    }
    %scan3A_16 = arith.constant 100 : i32
    return
  }
}

module attributes {stable_mosaic.version = 14 : i64} {
  func.func @_thr_body(%arg0: memref<800x128xi32, #tpu.memory_space<vmem>>, %arg1: memref<800x128xi32, #tpu.memory_space<vmem>>, %arg2: memref<800x128xi32, #tpu.memory_space<vmem>>, %arg3: memref<8x128xi32, #tpu.memory_space<vmem>>, %arg4: memref<800x128xi32, #tpu.memory_space<vmem>>) attributes {dimension_semantics = [], scalar_prefetch = 0 : i64, scratch_operands = 1 : i64, tpu.core_type = #tpu.core_type<tc>} {
    %iota3A = tpu.iota {dimensions = array<i32: 0>} : vector<800x128xi32>
    %iota3A_0 = tpu.iota {dimensions = array<i32: 1>} : vector<800x128xi32>
    %mul3A = arith.constant 128 : i32
    %mul3A_1 = vector.broadcast %mul3A : i32 to vector<800x128xi32>
    %mul3A_2 = arith.muli %iota3A, %mul3A_1 : vector<800x128xi32>
    %add3A = arith.addi %mul3A_2, %iota3A_0 : vector<800x128xi32>
    %lt3A = arith.constant 100000 : i32
    %lt3A_3 = vector.broadcast %lt3A : i32 to vector<800x128xi32>
    %lt3A_4 = arith.cmpi slt, %add3A, %lt3A_3 : vector<800x128xi32>
    %get3A = arith.constant 0 : index
    %get3A_5 = arith.constant 0 : index
    %get3A_6 = vector.load %arg1[%get3A, %get3A_5] : memref<800x128xi32, #tpu.memory_space<vmem>>, vector<800x128xi32>
    %gt3A = arith.constant 0 : i32
    %gt3A_7 = vector.broadcast %gt3A : i32 to vector<800x128xi32>
    %gt3A_8 = arith.cmpi sgt, %get3A_6, %gt3A_7 : vector<800x128xi32>
    %get3A_9 = arith.constant 0 : index
    %get3A_10 = arith.constant 0 : index
    %get3A_11 = vector.load %arg0[%get3A_9, %get3A_10] : memref<800x128xi32, #tpu.memory_space<vmem>>, vector<800x128xi32>
    %jit3A = arith.constant -2139095041 : i32
    %broadcast_in_dim3A = vector.broadcast %jit3A : i32 to vector<800x128xi32>
    %select_n3A = arith.select %gt3A_8, %get3A_11, %broadcast_in_dim3A : vector<800x128xi1>, vector<800x128xi32>
    %jit3A_12 = arith.constant -2147483648 : i32
    %broadcast_in_dim3A_13 = vector.broadcast %jit3A_12 : i32 to vector<800x128xi32>
    %select_n3A_14 = arith.select %lt3A_4, %select_n3A, %broadcast_in_dim3A_13 : vector<800x128xi1>, vector<800x128xi32>
    %swap3A = arith.constant 0 : index
    %swap3A_15 = arith.constant 0 : index
    %swap3A_16 = vector.load %arg2[%swap3A, %swap3A_15] : memref<800x128xi32, #tpu.memory_space<vmem>>, vector<800x128xi32>
    tpu.vector_store %arg2[%swap3A, %swap3A_15], %select_n3A_14 {strides = array<i32>} : memref<800x128xi32, #tpu.memory_space<vmem>>, vector<800x128xi32>,
    %bitcast_convert_type3A = tpu.bitcast %select_n3A_14 : vector<800x128xi32> -> vector<800x128xi32>
    %xor3A = arith.constant -2147483648 : i32
    %xor3A_17 = vector.broadcast %xor3A : i32 to vector<800x128xi32>
    %xor3A_18 = arith.xori %bitcast_convert_type3A, %xor3A_17 : vector<800x128xi32>
    %swap3A_19 = arith.constant 0 : index
    %swap3A_20 = arith.constant 0 : index
    %swap3A_21 = vector.load %arg4[%swap3A_19, %swap3A_20] : memref<800x128xi32, #tpu.memory_space<vmem>>, vector<800x128xi32>
    tpu.vector_store %arg4[%swap3A_19, %swap3A_20], %xor3A_18 {strides = array<i32>} : memref<800x128xi32, #tpu.memory_space<vmem>>, vector<800x128xi32>,
    %broadcast_in_dim3A_22 = arith.constant 0 : i32
    %broadcast_in_dim3A_23 = vector.broadcast %broadcast_in_dim3A_22 : i32 to vector<1x1xi32>
    %scan3A = arith.constant 0 : i32
    %scan3A_24 = arith.constant 32 : i32
    %scan3A_25 = arith.addi %scan3A, %scan3A_24 : i32
    %scan3A_26 = arith.constant 1 : i32
    %scan3A_27 = scf.for %scan3A_38 = %scan3A to %scan3A_25 step %scan3A_26 iter_args(%scan3A_39 = %broadcast_in_dim3A_23) -> (vector<1x1xi32>)  : i32 {
      %sub3A = arith.constant 31 : i32
      %sub3A_40 = arith.subi %sub3A, %scan3A_38 : i32
      %shift_left3A = arith.constant 1 : i32
      %shift_left3A_41 = arith.shli %shift_left3A, %sub3A_40 : i32
      %broadcast_in_dim3A_42 = vector.broadcast %shift_left3A_41 : i32 to vector<1x1xi32>
      %or3A = arith.ori %scan3A_39, %broadcast_in_dim3A_42 : vector<1x1xi32>
      %broadcast_in_dim3A_43 = vector.shape_cast %or3A : vector<1x1xi32> to vector<1x1xi32>
      %broadcast_in_dim3A_44 = vector.broadcast %broadcast_in_dim3A_43 : vector<1x1xi32> to vector<800x128xi32>
      %get3A_45 = arith.constant 0 : index
      %get3A_46 = arith.constant 0 : index
      %get3A_47 = vector.load %arg4[%get3A_45, %get3A_46] : memref<800x128xi32, #tpu.memory_space<vmem>>, vector<800x128xi32>
      %ge3A = arith.cmpi uge, %get3A_47, %broadcast_in_dim3A_44 : vector<800x128xi32>
      %convert_element_type3A = arith.extui %ge3A : vector<800x128xi1> to vector<800x128xi32>
      %reduce_sum3A = vector.shape_cast %convert_element_type3A : vector<800x128xi32> to vector<1x800x128xi32>
      %reduce_sum3A_48 = arith.constant dense<0> : vector<1xi32>
      %reduce_sum3A_49 = vector.multi_reduction <add>, %reduce_sum3A, %reduce_sum3A_48 [1, 2] : vector<1x800x128xi32> to vector<1xi32>
      %reduce_sum3A_50 = vector.shape_cast %reduce_sum3A_49 : vector<1xi32> to vector<1x1x1xi32>
      %reduce_sum3A_51 = vector.extract %reduce_sum3A_50[0, 0, 0] : i32 from vector<1x1x1xi32>
      %broadcast_in_dim3A_52 = vector.broadcast %reduce_sum3A_51 : i32 to vector<1x1xi32>
      %ge3A_53 = arith.constant 100 : i32
      %ge3A_54 = vector.broadcast %ge3A_53 : i32 to vector<1x1xi32>
      %ge3A_55 = arith.cmpi sge, %broadcast_in_dim3A_52, %ge3A_54 : vector<1x1xi32>
      %select_n3A_56 = arith.select %ge3A_55, %or3A, %scan3A_39 : vector<1x1xi1>, vector<1x1xi32>
      scf.yield %select_n3A_56 : vector<1x1xi32>
    }
    %scan3A_28 = arith.constant 32 : i32
    %xor3A_29 = arith.constant -2147483648 : i32
    %xor3A_30 = vector.broadcast %xor3A_29 : i32 to vector<1x1xi32>
    %xor3A_31 = arith.xori %scan3A_27, %xor3A_30 : vector<1x1xi32>
    %bitcast_convert_type3A_32 = tpu.bitcast %xor3A_31 : vector<1x1xi32> -> vector<1x1xi32>
    %broadcast_in_dim3A_33 = vector.shape_cast %bitcast_convert_type3A_32 : vector<1x1xi32> to vector<1x1xi32>
    %broadcast_in_dim3A_34 = vector.broadcast %broadcast_in_dim3A_33 : vector<1x1xi32> to vector<8x128xi32>
    %swap3A_35 = arith.constant 0 : index
    %swap3A_36 = arith.constant 0 : index
    %swap3A_37 = vector.load %arg3[%swap3A_35, %swap3A_36] : memref<8x128xi32, #tpu.memory_space<vmem>>, vector<8x128xi32>
    tpu.vector_store %arg3[%swap3A_35, %swap3A_36], %broadcast_in_dim3A_34 {strides = array<i32>} : memref<8x128xi32, #tpu.memory_space<vmem>>, vector<8x128xi32>,
    return
  }
}

module attributes {stable_mosaic.version = 14 : i64} {
  func.func @_fused_body(%arg0: i32, %arg1: memref<1x128xf32, #tpu.memory_space<vmem>>, %arg2: memref<20480x128xf32, #tpu.memory_space<vmem>>, %arg3: memref<160x128xi32, #tpu.memory_space<vmem>>, %arg4: memref<160x128xi32, #tpu.memory_space<vmem>>, %arg5: memref<160x128xi32, #tpu.memory_space<vmem>>, %arg6: memref<160x128xi32, #tpu.memory_space<vmem>>, %arg7: memref<160x128xi32, #tpu.memory_space<vmem>>, %arg8: memref<1xi32, #tpu.memory_space<smem>>, %arg9: memref<200xi32, #tpu.memory_space<smem>>, %arg10: memref<500xi32, #tpu.memory_space<smem>>, %arg11: memref<50xi32, #tpu.memory_space<smem>>, %arg12: memref<1x20480xi32, #tpu.memory_space<vmem>>, %arg13: memref<160x128xi32, #tpu.memory_space<vmem>>, %arg14: memref<3x32xi32, #tpu.memory_space<smem>>) attributes {dimension_semantics = [#tpu.dimension_semantics<arbitrary>], iteration_bounds = array<i64: 5>, scalar_prefetch = 0 : i64, scratch_operands = 1 : i64, tpu.core_type = #tpu.core_type<tc>, window_params = [{pipeline_mode = #tpu.pipeline_mode<synchronous>, transform_indices = @transform_0, window_bounds = array<i64: 1, 128>}, {transform_indices = @transform_1, window_bounds = array<i64: 20480, 128>}, {transform_indices = @transform_2, window_bounds = array<i64: 160, 128>}, {transform_indices = @transform_3, window_bounds = array<i64: 160, 128>}, {transform_indices = @transform_4, window_bounds = array<i64: 160, 128>}, {transform_indices = @transform_5, window_bounds = array<i64: 160, 128>}, {transform_indices = @transform_6, window_bounds = array<i64: 160, 128>}, {transform_indices = @transform_7, window_bounds = array<i64: 1>}, {transform_indices = @transform_8, window_bounds = array<i64: 200>}, {transform_indices = @transform_9, window_bounds = array<i64: 500>}, {transform_indices = @transform_10, window_bounds = array<i64: 50>}, {transform_indices = @transform_11, window_bounds = array<i64: 1, 20480>}, {transform_indices = @transform_12, window_bounds = array<i64: 160, 128>}]} {
    %eq3A = arith.constant 0 : i32
    %eq3A_0 = arith.cmpi eq, %arg0, %eq3A : i32
    %convert_element_type3A = arith.extui %eq3A_0 : i1 to i32
    %cond3A = arith.constant 0 : i32
    %cond3A_1 = arith.cmpi ne, %convert_element_type3A, %cond3A : i32
    scf.if %cond3A_1 {
      %scan3A_100 = arith.constant 0 : i32
      %scan3A_101 = arith.constant 32 : i32
      %scan3A_102 = arith.addi %scan3A_100, %scan3A_101 : i32
      %scan3A_103 = arith.constant 1 : i32
      scf.for %scan3A_120 = %scan3A_100 to %scan3A_102 step %scan3A_103  : i32 {
        %swap3A_121 = arith.constant 0 : i32
        %swap3A_122 = arith.constant 0 : index
        %swap3A_123 = arith.index_cast %scan3A_120 : i32 to index
        %swap3A_124 = memref.load %arg14[%swap3A_122, %swap3A_123] : memref<3x32xi32, #tpu.memory_space<smem>>
        memref.store %swap3A_121, %arg14[%swap3A_122, %swap3A_123] : memref<3x32xi32, #tpu.memory_space<smem>>
        %swap3A_125 = arith.constant 0 : i32
        %swap3A_126 = arith.constant 1 : index
        %swap3A_127 = arith.index_cast %scan3A_120 : i32 to index
        %swap3A_128 = memref.load %arg14[%swap3A_126, %swap3A_127] : memref<3x32xi32, #tpu.memory_space<smem>>
        memref.store %swap3A_125, %arg14[%swap3A_126, %swap3A_127] : memref<3x32xi32, #tpu.memory_space<smem>>
        %swap3A_129 = arith.constant 0 : i32
        %swap3A_130 = arith.constant 2 : index
        %swap3A_131 = arith.index_cast %scan3A_120 : i32 to index
        %swap3A_132 = memref.load %arg14[%swap3A_130, %swap3A_131] : memref<3x32xi32, #tpu.memory_space<smem>>
        memref.store %swap3A_129, %arg14[%swap3A_130, %swap3A_131] : memref<3x32xi32, #tpu.memory_space<smem>>
      }
      %scan3A_104 = arith.constant 32 : i32
      %scan3A_105 = arith.constant 0 : i32
      %scan3A_106 = arith.constant 200 : i32
      %scan3A_107 = arith.addi %scan3A_105, %scan3A_106 : i32
      %scan3A_108 = arith.constant 1 : i32
      scf.for %scan3A_120 = %scan3A_105 to %scan3A_107 step %scan3A_108  : i32 {
        %get3A_121 = arith.index_cast %scan3A_120 : i32 to index
        %get3A_122 = memref.load %arg9[%get3A_121] : memref<200xi32, #tpu.memory_space<smem>>
        %shift_right_arithmetic3A_123 = arith.constant 5 : i32
        %shift_right_arithmetic3A_124 = arith.shrsi %get3A_122, %shift_right_arithmetic3A_123 : i32
        %get3A_125 = arith.constant 0 : index
        %get3A_126 = arith.index_cast %shift_right_arithmetic3A_124 : i32 to index
        %get3A_127 = memref.load %arg14[%get3A_125, %get3A_126] : memref<3x32xi32, #tpu.memory_space<smem>>
        %and3A_128 = arith.constant 31 : i32
        %and3A_129 = arith.andi %get3A_122, %and3A_128 : i32
        %shift_left3A = arith.constant 1 : i32
        %shift_left3A_130 = arith.shli %shift_left3A, %and3A_129 : i32
        %or3A_131 = arith.ori %get3A_127, %shift_left3A_130 : i32
        %swap3A_132 = arith.constant 0 : index
        %swap3A_133 = arith.index_cast %shift_right_arithmetic3A_124 : i32 to index
        %swap3A_134 = memref.load %arg14[%swap3A_132, %swap3A_133] : memref<3x32xi32, #tpu.memory_space<smem>>
        memref.store %or3A_131, %arg14[%swap3A_132, %swap3A_133] : memref<3x32xi32, #tpu.memory_space<smem>>
      }
      %scan3A_109 = arith.constant 200 : i32
      %scan3A_110 = arith.constant 0 : i32
      %scan3A_111 = arith.constant 500 : i32
      %scan3A_112 = arith.addi %scan3A_110, %scan3A_111 : i32
      %scan3A_113 = arith.constant 1 : i32
      scf.for %scan3A_120 = %scan3A_110 to %scan3A_112 step %scan3A_113  : i32 {
        %get3A_121 = arith.index_cast %scan3A_120 : i32 to index
        %get3A_122 = memref.load %arg10[%get3A_121] : memref<500xi32, #tpu.memory_space<smem>>
        %shift_right_arithmetic3A_123 = arith.constant 5 : i32
        %shift_right_arithmetic3A_124 = arith.shrsi %get3A_122, %shift_right_arithmetic3A_123 : i32
        %get3A_125 = arith.constant 1 : index
        %get3A_126 = arith.index_cast %shift_right_arithmetic3A_124 : i32 to index
        %get3A_127 = memref.load %arg14[%get3A_125, %get3A_126] : memref<3x32xi32, #tpu.memory_space<smem>>
        %and3A_128 = arith.constant 31 : i32
        %and3A_129 = arith.andi %get3A_122, %and3A_128 : i32
        %shift_left3A = arith.constant 1 : i32
        %shift_left3A_130 = arith.shli %shift_left3A, %and3A_129 : i32
        %or3A_131 = arith.ori %get3A_127, %shift_left3A_130 : i32
        %swap3A_132 = arith.constant 1 : index
        %swap3A_133 = arith.index_cast %shift_right_arithmetic3A_124 : i32 to index
        %swap3A_134 = memref.load %arg14[%swap3A_132, %swap3A_133] : memref<3x32xi32, #tpu.memory_space<smem>>
        memref.store %or3A_131, %arg14[%swap3A_132, %swap3A_133] : memref<3x32xi32, #tpu.memory_space<smem>>
      }
      %scan3A_114 = arith.constant 500 : i32
      %scan3A_115 = arith.constant 0 : i32
      %scan3A_116 = arith.constant 50 : i32
      %scan3A_117 = arith.addi %scan3A_115, %scan3A_116 : i32
      %scan3A_118 = arith.constant 1 : i32
      scf.for %scan3A_120 = %scan3A_115 to %scan3A_117 step %scan3A_118  : i32 {
        %get3A_121 = arith.index_cast %scan3A_120 : i32 to index
        %get3A_122 = memref.load %arg11[%get3A_121] : memref<50xi32, #tpu.memory_space<smem>>
        %shift_right_arithmetic3A_123 = arith.constant 5 : i32
        %shift_right_arithmetic3A_124 = arith.shrsi %get3A_122, %shift_right_arithmetic3A_123 : i32
        %get3A_125 = arith.constant 2 : index
        %get3A_126 = arith.index_cast %shift_right_arithmetic3A_124 : i32 to index
        %get3A_127 = memref.load %arg14[%get3A_125, %get3A_126] : memref<3x32xi32, #tpu.memory_space<smem>>
        %and3A_128 = arith.constant 31 : i32
        %and3A_129 = arith.andi %get3A_122, %and3A_128 : i32
        %shift_left3A = arith.constant 1 : i32
        %shift_left3A_130 = arith.shli %shift_left3A, %and3A_129 : i32
        %or3A_131 = arith.ori %get3A_127, %shift_left3A_130 : i32
        %swap3A_132 = arith.constant 2 : index
        %swap3A_133 = arith.index_cast %shift_right_arithmetic3A_124 : i32 to index
        %swap3A_134 = memref.load %arg14[%swap3A_132, %swap3A_133] : memref<3x32xi32, #tpu.memory_space<smem>>
        memref.store %or3A_131, %arg14[%swap3A_132, %swap3A_133] : memref<3x32xi32, #tpu.memory_space<smem>>
      }
      %scan3A_119 = arith.constant 50 : i32
    } else {
    }
    %get3A = arith.constant 0 : index
    %get3A_2 = arith.constant 0 : index
    %get3A_3 = vector.load %arg1[%get3A, %get3A_2] : memref<1x128xf32, #tpu.memory_space<vmem>>, vector<1x128xf32>
    %get3A_4 = arith.constant 0 : index
    %get3A_5 = arith.constant 0 : index
    %get3A_6 = vector.load %arg2[%get3A_4, %get3A_5] : memref<20480x128xf32, #tpu.memory_space<vmem>>, vector<20480x128xf32>
    %dot_general3A = arith.constant dense<0.000000e+00> : vector<1x20480xf32>
    %dot_general3A_7 = tpu.matmul %get3A_3, %get3A_6, %dot_general3A {dimension_numbers = #tpu.dot_dimension_numbers<[1], [1], [0], [0], [0, 0, 1, 0], [], []>, transpose_lhs_hint = false} : vector<1x128xf32>, vector<20480x128xf32>, vector<1x20480xf32> -> vector<1x20480xf32>
    %bitcast_convert_type3A = tpu.bitcast %dot_general3A_7 : vector<1x20480xf32> -> vector<1x20480xi32>
    %ge3A = arith.constant 0 : i32
    %ge3A_8 = vector.broadcast %ge3A : i32 to vector<1x20480xi32>
    %ge3A_9 = arith.cmpi sge, %bitcast_convert_type3A, %ge3A_8 : vector<1x20480xi32>
    %xor3A = arith.constant 2147483647 : i32
    %xor3A_10 = vector.broadcast %xor3A : i32 to vector<1x20480xi32>
    %xor3A_11 = arith.xori %bitcast_convert_type3A, %xor3A_10 : vector<1x20480xi32>
    %select_n3A = arith.select %ge3A_9, %bitcast_convert_type3A, %xor3A_11 : vector<1x20480xi1>, vector<1x20480xi32>
    %swap3A = arith.constant 0 : index
    %swap3A_12 = arith.constant 0 : index
    %swap3A_13 = vector.load %arg12[%swap3A, %swap3A_12] : memref<1x20480xi32, #tpu.memory_space<vmem>>, vector<1x20480xi32>
    tpu.vector_store %arg12[%swap3A, %swap3A_12], %select_n3A {strides = array<i32>} : memref<1x20480xi32, #tpu.memory_space<vmem>>, vector<1x20480xi32>,
    %get3A_14 = arith.constant 0 : index
    %get3A_15 = arith.constant 0 : index
    %get3A_16 = vector.load %arg5[%get3A_14, %get3A_15] : memref<160x128xi32, #tpu.memory_space<vmem>>, vector<160x128xi32>
    %shift_right_arithmetic3A = arith.constant 5 : i32
    %shift_right_arithmetic3A_17 = vector.broadcast %shift_right_arithmetic3A : i32 to vector<160x128xi32>
    %shift_right_arithmetic3A_18 = arith.shrsi %get3A_16, %shift_right_arithmetic3A_17 : vector<160x128xi32>
    %and3A = arith.constant 31 : i32
    %and3A_19 = vector.broadcast %and3A : i32 to vector<160x128xi32>
    %and3A_20 = arith.andi %get3A_16, %and3A_19 : vector<160x128xi32>
    %broadcast_in_dim3A = arith.constant 0 : i32
    %broadcast_in_dim3A_21 = vector.broadcast %broadcast_in_dim3A : i32 to vector<160x128xi32>
    %scan3A = arith.constant 0 : i32
    %scan3A_22 = arith.constant 32 : i32
    %scan3A_23 = arith.addi %scan3A, %scan3A_22 : i32
    %scan3A_24 = arith.constant 1 : i32
    %scan3A_25 = scf.for %scan3A_100 = %scan3A to %scan3A_23 step %scan3A_24 iter_args(%scan3A_101 = %broadcast_in_dim3A_21) -> (vector<160x128xi32>)  : i32 {
      %eq3A_102 = vector.broadcast %scan3A_100 : i32 to vector<160x128xi32>
      %eq3A_103 = arith.cmpi eq, %shift_right_arithmetic3A_18, %eq3A_102 : vector<160x128xi32>
      %get3A_104 = arith.constant 0 : index
      %get3A_105 = arith.index_cast %scan3A_100 : i32 to index
      %get3A_106 = memref.load %arg14[%get3A_104, %get3A_105] : memref<3x32xi32, #tpu.memory_space<smem>>
      %broadcast_in_dim3A_107 = vector.broadcast %get3A_106 : i32 to vector<160x128xi32>
      %select_n3A_108 = arith.select %eq3A_103, %broadcast_in_dim3A_107, %scan3A_101 : vector<160x128xi1>, vector<160x128xi32>
      scf.yield %select_n3A_108 : vector<160x128xi32>
    }
    %scan3A_26 = arith.constant 32 : i32
    %shift_right_logical3A = arith.shrui %scan3A_25, %and3A_20 : vector<160x128xi32>
    %and3A_27 = arith.constant 1 : i32
    %and3A_28 = vector.broadcast %and3A_27 : i32 to vector<160x128xi32>
    %and3A_29 = arith.andi %shift_right_logical3A, %and3A_28 : vector<160x128xi32>
    %gt3A = arith.constant 0 : i32
    %gt3A_30 = vector.broadcast %gt3A : i32 to vector<160x128xi32>
    %gt3A_31 = arith.cmpi sgt, %and3A_29, %gt3A_30 : vector<160x128xi32>
    %get3A_32 = arith.constant 0 : index
    %get3A_33 = arith.constant 0 : index
    %get3A_34 = vector.load %arg6[%get3A_32, %get3A_33] : memref<160x128xi32, #tpu.memory_space<vmem>>, vector<160x128xi32>
    %shift_right_arithmetic3A_35 = arith.constant 5 : i32
    %shift_right_arithmetic3A_36 = vector.broadcast %shift_right_arithmetic3A_35 : i32 to vector<160x128xi32>
    %shift_right_arithmetic3A_37 = arith.shrsi %get3A_34, %shift_right_arithmetic3A_36 : vector<160x128xi32>
    %and3A_38 = arith.constant 31 : i32
    %and3A_39 = vector.broadcast %and3A_38 : i32 to vector<160x128xi32>
    %and3A_40 = arith.andi %get3A_34, %and3A_39 : vector<160x128xi32>
    %broadcast_in_dim3A_41 = arith.constant 0 : i32
    %broadcast_in_dim3A_42 = vector.broadcast %broadcast_in_dim3A_41 : i32 to vector<160x128xi32>
    %scan3A_43 = arith.constant 0 : i32
    %scan3A_44 = arith.constant 32 : i32
    %scan3A_45 = arith.addi %scan3A_43, %scan3A_44 : i32
    %scan3A_46 = arith.constant 1 : i32
    %scan3A_47 = scf.for %scan3A_100 = %scan3A_43 to %scan3A_45 step %scan3A_46 iter_args(%scan3A_101 = %broadcast_in_dim3A_42) -> (vector<160x128xi32>)  : i32 {
      %eq3A_102 = vector.broadcast %scan3A_100 : i32 to vector<160x128xi32>
      %eq3A_103 = arith.cmpi eq, %shift_right_arithmetic3A_37, %eq3A_102 : vector<160x128xi32>
      %get3A_104 = arith.constant 1 : index
      %get3A_105 = arith.index_cast %scan3A_100 : i32 to index
      %get3A_106 = memref.load %arg14[%get3A_104, %get3A_105] : memref<3x32xi32, #tpu.memory_space<smem>>
      %broadcast_in_dim3A_107 = vector.broadcast %get3A_106 : i32 to vector<160x128xi32>
      %select_n3A_108 = arith.select %eq3A_103, %broadcast_in_dim3A_107, %scan3A_101 : vector<160x128xi1>, vector<160x128xi32>
      scf.yield %select_n3A_108 : vector<160x128xi32>
    }
    %scan3A_48 = arith.constant 32 : i32
    %shift_right_logical3A_49 = arith.shrui %scan3A_47, %and3A_40 : vector<160x128xi32>
    %and3A_50 = arith.constant 1 : i32
    %and3A_51 = vector.broadcast %and3A_50 : i32 to vector<160x128xi32>
    %and3A_52 = arith.andi %shift_right_logical3A_49, %and3A_51 : vector<160x128xi32>
    %gt3A_53 = arith.constant 0 : i32
    %gt3A_54 = vector.broadcast %gt3A_53 : i32 to vector<160x128xi32>
    %gt3A_55 = arith.cmpi sgt, %and3A_52, %gt3A_54 : vector<160x128xi32>
    %get3A_56 = arith.constant 0 : index
    %get3A_57 = arith.constant 0 : index
    %get3A_58 = vector.load %arg7[%get3A_56, %get3A_57] : memref<160x128xi32, #tpu.memory_space<vmem>>, vector<160x128xi32>
    %shift_right_arithmetic3A_59 = arith.constant 5 : i32
    %shift_right_arithmetic3A_60 = vector.broadcast %shift_right_arithmetic3A_59 : i32 to vector<160x128xi32>
    %shift_right_arithmetic3A_61 = arith.shrsi %get3A_58, %shift_right_arithmetic3A_60 : vector<160x128xi32>
    %and3A_62 = arith.constant 31 : i32
    %and3A_63 = vector.broadcast %and3A_62 : i32 to vector<160x128xi32>
    %and3A_64 = arith.andi %get3A_58, %and3A_63 : vector<160x128xi32>
    %broadcast_in_dim3A_65 = arith.constant 0 : i32
    %broadcast_in_dim3A_66 = vector.broadcast %broadcast_in_dim3A_65 : i32 to vector<160x128xi32>
    %scan3A_67 = arith.constant 0 : i32
    %scan3A_68 = arith.constant 32 : i32
    %scan3A_69 = arith.addi %scan3A_67, %scan3A_68 : i32
    %scan3A_70 = arith.constant 1 : i32
    %scan3A_71 = scf.for %scan3A_100 = %scan3A_67 to %scan3A_69 step %scan3A_70 iter_args(%scan3A_101 = %broadcast_in_dim3A_66) -> (vector<160x128xi32>)  : i32 {
      %eq3A_102 = vector.broadcast %scan3A_100 : i32 to vector<160x128xi32>
      %eq3A_103 = arith.cmpi eq, %shift_right_arithmetic3A_61, %eq3A_102 : vector<160x128xi32>
      %get3A_104 = arith.constant 2 : index
      %get3A_105 = arith.index_cast %scan3A_100 : i32 to index
      %get3A_106 = memref.load %arg14[%get3A_104, %get3A_105] : memref<3x32xi32, #tpu.memory_space<smem>>
      %broadcast_in_dim3A_107 = vector.broadcast %get3A_106 : i32 to vector<160x128xi32>
      %select_n3A_108 = arith.select %eq3A_103, %broadcast_in_dim3A_107, %scan3A_101 : vector<160x128xi1>, vector<160x128xi32>
      scf.yield %select_n3A_108 : vector<160x128xi32>
    }
    %scan3A_72 = arith.constant 32 : i32
    %shift_right_logical3A_73 = arith.shrui %scan3A_71, %and3A_64 : vector<160x128xi32>
    %and3A_74 = arith.constant 1 : i32
    %and3A_75 = vector.broadcast %and3A_74 : i32 to vector<160x128xi32>
    %and3A_76 = arith.andi %shift_right_logical3A_73, %and3A_75 : vector<160x128xi32>
    %gt3A_77 = arith.constant 0 : i32
    %gt3A_78 = vector.broadcast %gt3A_77 : i32 to vector<160x128xi32>
    %gt3A_79 = arith.cmpi sgt, %and3A_76, %gt3A_78 : vector<160x128xi32>
    %get3A_80 = arith.constant 0 : index
    %get3A_81 = memref.load %arg8[%get3A_80] : memref<1xi32, #tpu.memory_space<smem>>
    %or3A = arith.ori %gt3A_31, %gt3A_55 : vector<160x128xi1>
    %and3A_82 = arith.andi %or3A, %gt3A_79 : vector<160x128xi1>
    %get3A_83 = arith.constant 0 : index
    %get3A_84 = arith.constant 0 : index
    %get3A_85 = vector.load %arg3[%get3A_83, %get3A_84] : memref<160x128xi32, #tpu.memory_space<vmem>>, vector<160x128xi32>
    %gt3A_86 = vector.broadcast %get3A_81 : i32 to vector<160x128xi32>
    %gt3A_87 = arith.cmpi sgt, %get3A_85, %gt3A_86 : vector<160x128xi32>
    %get3A_88 = arith.constant 0 : index
    %get3A_89 = arith.constant 0 : index
    %get3A_90 = vector.load %arg4[%get3A_88, %get3A_89] : memref<160x128xi32, #tpu.memory_space<vmem>>, vector<160x128xi32>
    %gt3A_91 = arith.constant 0 : i32
    %gt3A_92 = vector.broadcast %gt3A_91 : i32 to vector<160x128xi32>
    %gt3A_93 = arith.cmpi sgt, %get3A_90, %gt3A_92 : vector<160x128xi32>
    %and3A_94 = arith.andi %gt3A_87, %gt3A_93 : vector<160x128xi1>
    %and3A_95 = arith.andi %and3A_82, %and3A_94 : vector<160x128xi1>
    %convert_element_type3A_96 = arith.extui %and3A_95 : vector<160x128xi1> to vector<160x128xi32>
    %swap3A_97 = arith.constant 0 : index
    %swap3A_98 = arith.constant 0 : index
    %swap3A_99 = vector.load %arg13[%swap3A_97, %swap3A_98] : memref<160x128xi32, #tpu.memory_space<vmem>>, vector<160x128xi32>
    tpu.vector_store %arg13[%swap3A_97, %swap3A_98], %convert_element_type3A_96 {strides = array<i32>} : memref<160x128xi32, #tpu.memory_space<vmem>>, vector<160x128xi32>,
    return
  }
  func.func @transform_0(%arg0: i32) -> (i32, i32) {
    %c0_i32 = arith.constant 0 : i32
    %c0_i32_0 = arith.constant 0 : i32
    %c0_i32_1 = arith.constant 0 : i32
    return %c0_i32, %c0_i32_0 : i32, i32
  }
  func.func @transform_1(%arg0: i32) -> (i32, i32) {
    %c0_i32 = arith.constant 0 : i32
    %c0_i32_0 = arith.constant 0 : i32
    return %arg0, %c0_i32 : i32, i32
  }
  func.func @transform_2(%arg0: i32) -> (i32, i32) {
    %c0_i32 = arith.constant 0 : i32
    %c0_i32_0 = arith.constant 0 : i32
    return %arg0, %c0_i32 : i32, i32
  }
  func.func @transform_3(%arg0: i32) -> (i32, i32) {
    %c0_i32 = arith.constant 0 : i32
    %c0_i32_0 = arith.constant 0 : i32
    return %arg0, %c0_i32 : i32, i32
  }
  func.func @transform_4(%arg0: i32) -> (i32, i32) {
    %c0_i32 = arith.constant 0 : i32
    %c0_i32_0 = arith.constant 0 : i32
    return %arg0, %c0_i32 : i32, i32
  }
  func.func @transform_5(%arg0: i32) -> (i32, i32) {
    %c0_i32 = arith.constant 0 : i32
    %c0_i32_0 = arith.constant 0 : i32
    return %arg0, %c0_i32 : i32, i32
  }
  func.func @transform_6(%arg0: i32) -> (i32, i32) {
    %c0_i32 = arith.constant 0 : i32
    %c0_i32_0 = arith.constant 0 : i32
    return %arg0, %c0_i32 : i32, i32
  }
  func.func @transform_7(%arg0: i32) -> i32 {
    %c0_i32 = arith.constant 0 : i32
    %c0_i32_0 = arith.constant 0 : i32
    return %c0_i32 : i32
  }
  func.func @transform_8(%arg0: i32) -> i32 {
    %c0_i32 = arith.constant 0 : i32
    %c0_i32_0 = arith.constant 0 : i32
    return %c0_i32 : i32
  }
  func.func @transform_9(%arg0: i32) -> i32 {
    %c0_i32 = arith.constant 0 : i32
    %c0_i32_0 = arith.constant 0 : i32
    return %c0_i32 : i32
  }
  func.func @transform_10(%arg0: i32) -> i32 {
    %c0_i32 = arith.constant 0 : i32
    %c0_i32_0 = arith.constant 0 : i32
    return %c0_i32 : i32
  }
  func.func @transform_11(%arg0: i32) -> (i32, i32) {
    %c0_i32 = arith.constant 0 : i32
    %c0_i32_0 = arith.constant 0 : i32
    return %c0_i32, %arg0 : i32, i32
  }
  func.func @transform_12(%arg0: i32) -> (i32, i32) {
    %c0_i32 = arith.constant 0 : i32
    %c0_i32_0 = arith.constant 0 : i32
    return %arg0, %c0_i32 : i32, i32
  }
}

</mosaic_0001>

<sc_bundles>
// kernel: kernel.6.cloned.1.call-start
scs
__scs_entry_jumppad:
0x0: {  	(pc) =	sbr.rel $0x88, $3  }
0x1: {  	(tag) =	ssettag $0x0;
	lr =	simm.s32 $0x1  }
0x2: {  	[smem:$0x3F9A] =	sst lr;
	_ =	strace $0xD0000000  }
0x3: {  	_ = 	snop  }
0x4: {  	_ = 	snop  }
0x5: {  	_ = 	snop  }
0x6: {  	_ = 	snop  }
0x7: {  	_ = 	snop  }
__scs_overlays_trampoline_lowered:
0x8: {  	[smem:$0x3FA9] =	sst s0  }
0x9: {  	[smem:$0x3FAA] =	sst s1  }
0xa: {  	[smem:$0x3FAB] =	sst s2  }
0xb: {  	[smem:$0x3FAC] =	sst s3  }
0xc: {  	[smem:$0x3FAD] =	sst s4  }
0xd: {  	[smem:$0x3FAE] =	sst s5  }
0xe: {  	[smem:$0x3FAF] =	sst s6  }
0xf: {  	[smem:$0x3FB0] =	sst s7  }
0x10: {  	[smem:$0x3FB1] =	sst s8  }
0x11: {  	[smem:$0x3FB2] =	sst s9;
	s0 =	simm.s32 @!p0 $0x0  }
0x12: {  	s1 =	sld [smem:$0x3F98];
	s0 =	simm.s32 @p0 $0x1  }
0x13: {  	[smem:$0x3FB3] =	sst s0;
	s0 =	simm.s32 @!p1 $0x0  }
0x14: {  	s2 =	sld [smem:$0x3F97];
	s0 =	simm.s32 @p1 $0x1  }
0x15: {  	[smem:$0x3FB4] =	sst s0;
	s0 =	simm.s32 @!p2 $0x0  }
0x16: {  	s3 =	sld [smem:$0x3FDB];
	s0 =	simm.s32 @p2 $0x1  }
0x17: {  	s4 =	simm.s32 $0x1BF5;
	[smem:$0x3FB6] =	sst s0  }
0x18: {  	s0 =	sld [smem:$0x3F99];
	_ =	swait.ge [sflag:s4], $0x0  }
0x19: {  	s7 =	sld [smem:$0x3F9A]  }
0x1a: {  	s8 =	sadd.s32 $0xFFFFE003, lr  }
0x1b: {  	s9 =	sadd.s32 $0xFFFFFEF7, lr;
	s5 =	simm.s32 $0xFFFFFFFF;
	p2 =	slt.u32 s8, $0xFFFFF086  }
0x1c: {  	p1 =	slt.u32 s9, $0xF7A;
	s5 =	simm.s32 @!p2 $0x0  }
0x1d: {  	s5 =	simm.s32 @p1 $0x1;
	p0 =	seq.s32 s7, s2  }
0x1e: {  	s7 =	smul.u32 @!p0 $0xF7A, s2;
	p2 =	seq.s32 @!p0 s5, $0x0  }
0x1f: {  	s9 =	smul.u32 $0xF7A, s1;
	s8 =	simm.s32 @!p0 $0x1BF5;
	p2 =	por !p2, p0  }
0x20: {  	[sflag:s8] =	ssyncset.s32 @!p0 $0xFFFFF086;
	s6 =	sadd.s32 @!p0 s3, s7;
	s7 =	simm.s32 @!p0 $0x108  }
0x21: {  	s3 =	sadd.s32 s3, s9;
	s6 =	sadd.s32 @!p0 $0x88, s6;
	s7 =	simm.s32 @p2 $0x1082  }
0x22: {  	[simem:s7], [sflag:s8] =	dma.local @!p0 [hbm:s6], $0xF7A  }
0x23: {  	s9 =	sor.u32 $0xD0000000, s2;
	s6 =	simm.s32 $0x108;
	_ =	swait.ge @!p0 [sflag:s8], $0x0  }
0x24: {  	s3 =	sadd.s32 $0x88, s3;
	s6 =	simm.s32 @!p1 $0x1082;
	[sflag:s4] =	ssyncset.s32 $0xFFFFF086  }
0x25: {  	[simem:s6], [sflag:s4] =	dma.local [hbm:s3], $0xF7A  }
0x26: {  	[smem:$0x3F9A] =	sst s1;
	(tag) =	ssettag s2;
	_ =	strace s9  }
0x27: {  	s1 =	sld [smem:$0x3FAA]  }
0x28: {  	s2 =	sld [smem:$0x3FAB]  }
0x29: {  	s4 =	sld [smem:$0x3FAD]  }
0x2a: {  	p0 =	seq.s32 s5, $0x0;
	s5 =	sld [smem:$0x3FAE]  }
0x2b: {  	s6 =	sld [smem:$0x3FAF]  }
0x2c: {  	s7 =	sld [smem:$0x3FB0]  }
0x2d: {  	s3 =	simm.s32 $0x108;
	s8 =	sld [smem:$0x3FB1]  }
0x2e: {  	s3 =	simm.s32 @!p0 $0x1082;
	s9 =	sld [smem:$0x3FB2]  }
0x2f: {  	lr =	sadd.s32 s0, s3;
	s0 =	sld [smem:$0x3FA9]  }
0x30: {  	s3 =	sld [smem:$0x3FAC]  }
0x31: {  	[smem:$0x3FB5] =	sst s10  }
0x32: {  	s10 =	sld [smem:$0x3FB3];
	_ =	sdelay $0x3  }
0x33: {  	p0 =	seq.s32 s10, $0x1;
	s10 =	sld [smem:$0x3FB5];
	_ =	sdelay $0x3  }
0x34: {  	[smem:$0x3FB5] =	sst s10  }
0x35: {  	s10 =	sld [smem:$0x3FB4];
	_ =	sdelay $0x3  }
0x36: {  	p1 =	seq.s32 s10, $0x1;
	s10 =	sld [smem:$0x3FB5];
	_ =	sdelay $0x3  }
0x37: {  	[smem:$0x3FB5] =	sst s10  }
0x38: {  	s10 =	sld [smem:$0x3FB6]  }
0x39: {  	_ = 	snop;
	(pc) =	sbr.ind lr, $3  }
0x3a: {  	_ = 	snop  }
0x3b: {  	_ = 	snop  }
0x3c: {  	p2 =	seq.s32 s10, $0x1;
	s10 =	sld [smem:$0x3FB5]  }
0x3d: {  	_ =	shalt  }
0x3e: {  	_ =	shalt  }
0x3f: {  	_ =	shalt  }
0x40: {  	_ =	shalt  }
0x41: {  	_ =	shalt  }
0x42: {  	_ =	shalt  }
0x43: {  	_ =	shalt  }
0x44: {  	_ =	shalt  }
0x45: {  	_ =	shalt  }
0x46: {  	_ =	shalt  }
0x47: {  	_ =	shalt  }
0x48: {  	_ =	shalt  }
0x49: {  	_ =	shalt  }
0x4a: {  	_ =	shalt  }
0x4b: {  	_ =	shalt  }
0x4c: {  	_ =	shalt  }
0x4d: {  	_ =	shalt  }
0x4e: {  	_ =	shalt  }
0x4f: {  	_ =	shalt  }
0x50: {  	_ =	shalt  }
0x51: {  	_ =	shalt  }
0x52: {  	_ =	shalt  }
0x53: {  	_ =	shalt  }
0x54: {  	_ =	shalt  }
0x55: {  	_ =	shalt  }
0x56: {  	_ =	shalt  }
0x57: {  	_ =	shalt  }
0x58: {  	_ =	shalt  }
0x59: {  	_ =	shalt  }
0x5a: {  	_ =	shalt  }
0x5b: {  	_ =	shalt  }
0x5c: {  	_ =	shalt  }
0x5d: {  	_ =	shalt  }
0x5e: {  	_ =	shalt  }
0x5f: {  	_ =	shalt  }
0x60: {  	_ =	shalt  }
0x61: {  	_ =	shalt  }
0x62: {  	_ =	shalt  }
0x63: {  	_ =	shalt  }
0x64: {  	_ =	shalt  }
0x65: {  	_ =	shalt  }
0x66: {  	_ =	shalt  }
0x67: {  	_ =	shalt  }
0x68: {  	_ =	shalt  }
0x69: {  	_ =	shalt  }
0x6a: {  	_ =	shalt  }
0x6b: {  	_ =	shalt  }
0x6c: {  	_ =	shalt  }
0x6d: {  	_ =	shalt  }
0x6e: {  	_ =	shalt  }
0x6f: {  	_ =	shalt  }
0x70: {  	_ =	shalt  }
0x71: {  	_ =	shalt  }
0x72: {  	_ =	shalt  }
0x73: {  	_ =	shalt  }
0x74: {  	_ =	shalt  }
0x75: {  	_ =	shalt  }
0x76: {  	_ =	shalt  }
0x77: {  	_ =	shalt  }
0x78: {  	_ =	shalt  }
0x79: {  	_ =	shalt  }
0x7a: {  	_ =	shalt  }
0x7b: {  	_ =	shalt  }
0x7c: {  	_ =	shalt  }
0x7d: {  	_ =	shalt  }
0x7e: {  	_ =	shalt  }
0x7f: {  	_ =	shalt  }
0x80: {  	_ =	shalt  }
0x81: {  	_ =	shalt  }
0x82: {  	_ =	shalt  }
0x83: {  	_ =	shalt  }
0x84: {  	_ =	shalt  }
0x85: {  	_ =	shalt  }
0x86: {  	_ =	shalt  }
0x87: {  	_ =	shalt  }
.Lfunc_end0:
.L_simem_size_0:
called_computation_lowered:
.L_overlay_start_0:
0x88: {  	s2 =	sld [smem:$0x3FD9]  }
0x89: {  	s3 =	sld [smem:$0x3FFE];
	_ =	sdelay $0x1  }
0x8a: {  	s1 =	srdreg.scid  }
0x8b: {  	s0 =	sand.u32 $0x1, s1  }
0x8c: {  	s16 =	sshll.u32 s0, $0xA;
	s2 =	sadd.s32 s3, s2  }
0x8d: {  	s2 =	sadd.s32 s2, s16  }
0x8e: {  	[smem:$0x3FC1] =	sst s2  }
0x8f: {  	_ = 	snop  }
0x90: {  	(tm) =	ssettm $0x1  }
0x91: {  	s17 =	sld [smem:$0x3FFB];
	_ =	sdelay $0x3  }
0x92: {  	_ =	strace s17  }
0x93: {  	s2 =	sld [smem:$0x3FFC];
	_ =	sdelay $0x3  }
0x94: {  	_ =	strace s2  }
0x95: {  	s2 =	sld [smem:$0x3FFD];
	_ =	sdelay $0x3  }
0x96: {  	_ =	strace s2  }
0x97: {  	_ =	strace $0x8FFFFFFF  }
0x98: {  	s18 =	sld [smem:$0x3FDB];
	_ =	sdelay $0x1  }
0x99: {  	s19 =	simm.s32 $_scs_section_size  }
0x9a: {  	s4 =	simm.s32 $_size__tile_overlayer_lowered;
	s5 =	simm.s32 $_tile_overlayer_lowered  }
0x9b: {  	s22 =	simm.s32 $0x1BFF;
	s21 =	sshll.u32 s5, $0x1;
	s2 =	sadd.s32 s19, s18  }
0x9c: {  	s6 =	simm.s32 $0x0;
	s20 =	sshll.u32 s4, $0x1;
	s4 =	sadd.s32 s21, s2  }
0x9d: {  	[timem:s6], [sflag:s22] =	dma.local [hbm:s4], s20  }
0x9e: {  	_ =	swait.ge [sflag:s22], s20  }
0x9f: {  	s3 =	ssub.s32 $0x0, s20;
	[sflag:s22] =	ssyncset.done $0x0  }
0xa0: {  	[sflag:s22] =	ssyncadd.s32 s3;
	_ =	sdelay $0x1  }
0xa1: {  	s23 =	simm.s32 $0x1B8B  }
0xa2: {  	_ =	swait.ge [sflag:s23], $0x1  }
0xa3: {  	[sflag:s23] =	ssyncset.done $0x0  }
0xa4: {  	s25 =	simm.s32 $0x1B8E;
	s24 =	sld [smem:$0x3FFE];
	[sflag:s23] =	ssyncadd.s32 $0xFFFFFFFF  }
0xa5: {  	s26 =	simm.s32 $execute0_lowered;
	[smem:$0x3FD2] =	sst s25  }
0xa6: {  	s4 =	sshll.u32 s26, $0x1;
	_ =	strace $0x80000046;
	[dreg:$0x1] =	wrdreg $0xFFFFFFFF  }
0xa7: {  	s28 =	simm.s32 $_size_execute0_lowered;
	s2 =	sadd.s32 s2, s4;
	[dreg:$0x0] =	wrdreg $0x0  }
0xa8: {  	s4 =	sshll.u32 s28, $0x1;
	[dreg:$0x2] =	wrdreg s2  }
0xa9: {  	[dreg:$0x3] =	wrdreg s4  }
0xaa: {  	[dreg:$0x4] =	wrdreg $0xC0  }
0xab: {  	_ =	task [dreg:s6], $0x5FFFF  }
0xac: {  	[dreg:$0x1] =	wrdreg $0xFFFFFFFF  }
0xad: {  	[dreg:$0x0] =	wrdreg $0x60  }
0xae: {  	[dreg:$0x2] =	wrdreg s24  }
0xaf: {  	[dreg:$0x3] =	wrdreg $0x9  }
0xb0: {  	_ =	task.clear_ibuf [dreg:s6], $0x4FFFF;
	_ =	strace $0x90000046  }
0xb1: {  	s29 =	simm.s32 $0x9;
	_ =	strace $0x80000048  }
0xb2: {  	_ =	swait.ge [sflag:s29], $0x1  }
0xb3: {  	[sflag:s29] =	ssyncadd.s32 $0xFFFFFFFF  }
0xb4: {  	_ =	strace $0x90000048  }
0xb5: {  	_ =	sfence  }
0xb6: {  	s30 =	sld [smem:$0x0];
	_ =	sdelay $0x2  }
0xb7: {  	s31 =	sshll.u32 s1, $0xD;
	s1 =	sshrl.u32 s1, $0x2  }
0xb8: {  	s3 =	sand.u32 $0x4000, s31;
	s1 =	sadd.s32 s1, s30  }
0xb9: {  	s0 =	sor.u32 s3, s0;
	s1 =	sshll.u32 s1, $0x11  }
0xba: {  	s0 =	sor.u32 s1, s0  }
0xbb: {  	s0 =	sadd.s32 $0x8F2B, s0  }
0xbc: {  	[sflag:s0] =	ssyncadd.remote.s32 $0x1  }
0xbd: {  	_ =	sfence.sel $0xFFFF  }
0xbe: {  	[dreg:$0x0] =	wrdreg $0xFFFFFFFF;
	(pc) =	sbr.abs _section_cstart, $3  }
0xbf: {  	[dreg:$0x1] =	wrdreg $0xFFFFFFFF  }
0xc0: {  	_ =	task.clear_ibuf [dreg:s6], $0x2FFFF;
	_ =	strace $0x9FFFFFFF  }
0xc1: {  	(tm) =	ssettm $0x7FFFFFFF  }
tec
execute0_lowered:
.L_overlay_start_1:
0x0: {  	(tag) =	ssettag $0x1  }
0x1: {  	s1 =	srdreg.scid  }
0x2: {  	s0 =	stileid.u32;
	s4 =	rddreg [dreg:$0x0];
	s2 =	simm.s32 $0x0  }
0x3: {  	s14 =	simm.s32 $0xD80;
	s15 =	simm.s32 $0xE00;
	s16 =	simm.s32 $0xE80  }
0x4: {  	s17 =	simm.s32 $0x0;
	s6 =	sand.u32 $0x1, s1;
	s1 =	rddreg [dreg:$0x1]  }
0x5: {  	s29 =	sshll.u32 s0, $0x1;
	[smem:$0x7FF] =	sst s2;
	s10 =	sadd.s32 $0x5000, s4  }
0x6: {  	s11 =	sadd.s32 $0x5400, s4;
	s12 =	smul.u32 $0x1900, s0;
	s5 =	sor.u32 s6, s29  }
0x7: {  	_ =	strace $0x80000047;
	s7 =	ssub.s32 $0x2, s6;
	s13 =	smul.u32 $0xC80, s6  }
0x8: {  	s3 =	smul.u32 $0xC80, s5;
	s9 =	sshrl.u32 s7, $0x1;
	s30 =	sshll.u32 s5, $0x5  }
0x9: {  	s9 =	ssub.s32 s7, s9;
	s5 =	sadd.s32 s10, s30;
	s31 =	sor.u32 $0x10, s30  }
0xa: {  	s7 =	sadd.s32 s11, s30;
	s3 =	sshrl.u32 s3, $0x3;
	s6 =	sadd.s32 s10, s31  }
0xb: {  	s9 =	smax.u32 s9, $0x1;
	s10 =	sadd.s32 s13, s12;
	s12 =	simm.s32 $0x1  }
0xc: {  	s13 =	simm.s32 $0xD00;
	s8 =	sadd.s32 s3, s4;
	s3 =	sadd.s32 $0x4E00, s4  }
0xd: {  	v0 =	vimm.s32 $0x80000000;
	v1 =	vimm.s32 $0x0;
	v2 =	vlaneseq.u32;
	s4 =	sadd.s32 $0x1C00, s8;
	s8 =	sadd.s32 s11, s31;
	s11 =	simm.s32 $0x80  }
.LBB2_1:
0xe: {  	[tilespmem:s11], [sflag:$0x1] =	stream.linear.gather [hbm4b:s4+s2], $0xC80, $0x38;
	[tilespmem:$0xF00] =	vst v63  }
0xf: {  	_ =	swait.ge [sflag:s12], $0xC80  }
0x10: {  	[sflag:s12] =	ssyncset.done $0x0  }
0x11: {  	[sflag:s12] =	ssyncadd.s32 $0xFFFFF380  }
0x12: {  	[tilespmem:s2], [sflag:$0x1] =	stream.linear.gather [hbm4b:s3+s2], $0x10, $0x38;
	[tilespmem:$0xF00] =	vst v63  }
0x13: {  	_ =	swait.ge [sflag:s12], $0x10  }
0x14: {  	[sflag:s12] =	ssyncset.done $0x0  }
0x15: {  	[sflag:s12] =	ssyncadd.s32 $0xFFFFFFF0  }
0x16: {  	[tilespmem:$0xD00] =	vst v0  }
0x17: {  	[tilespmem:$0xE00] =	vst v0  }
0x18: {  	[tilespmem:$0xD80] =	vst v1  }
0x19: {  	[tilespmem:$0xE80] =	vst v1  }
0x1a: {  	[tilespmem:$0xD10] =	vst v0  }
0x1b: {  	[tilespmem:$0xE10] =	vst v0  }
0x1c: {  	[tilespmem:$0xD90] =	vst v1  }
0x1d: {  	[tilespmem:$0xE90] =	vst v1  }
0x1e: {  	[tilespmem:$0xD20] =	vst v0  }
0x1f: {  	[tilespmem:$0xE20] =	vst v0  }
0x20: {  	[tilespmem:$0xDA0] =	vst v1  }
0x21: {  	[tilespmem:$0xEA0] =	vst v1  }
0x22: {  	[tilespmem:$0xD30] =	vst v0  }
0x23: {  	[tilespmem:$0xE30] =	vst v0  }
0x24: {  	[tilespmem:$0xDB0] =	vst v1  }
0x25: {  	[tilespmem:$0xEB0] =	vst v1  }
0x26: {  	[tilespmem:$0xD40] =	vst v0  }
0x27: {  	[tilespmem:$0xE40] =	vst v0  }
0x28: {  	[tilespmem:$0xDC0] =	vst v1  }
0x29: {  	[tilespmem:$0xEC0] =	vst v1  }
0x2a: {  	[tilespmem:$0xD50] =	vst v0  }
0x2b: {  	[tilespmem:$0xE50] =	vst v0  }
0x2c: {  	[tilespmem:$0xDD0] =	vst v1  }
0x2d: {  	[tilespmem:$0xED0] =	vst v1  }
0x2e: {  	[tilespmem:$0xD60] =	vst v0  }
0x2f: {  	[tilespmem:$0xE60] =	vst v0  }
0x30: {  	[tilespmem:$0xDE0] =	vst v1  }
0x31: {  	[tilespmem:$0xEE0] =	vst v1  }
0x32: {  	[tilespmem:$0xD70] =	vst v0  }
0x33: {  	[tilespmem:$0xE70] =	vst v0  }
0x34: {  	[tilespmem:$0xDF0] =	vst v1  }
0x35: {  	s18 =	simm.s32 $0x0;
	[tilespmem:$0xEF0] =	vst v1;
	v3 =	vld [tilespmem:$0x0]  }
0x36: {  	v4 =	vld [tilespmem:s18+$0x80];
	_ =	sdelay $0x4  }
0x37: {  	vm0 =	vgt.s32 v4, v3  }
0x38: {  	vm1 =	veq.s32 v4, v3;
	v5 =	vsel vm0, $0x1, v1  }
0x39: {  	(xrf0) =	vadd.scan.msk.s32 $0xffff, v5;
	v5 =	vsel vm1, $0x1, v1  }
0x3a: {  	(xrf0) =	vadd.scan.msk.s32 $0xffff, v5;
	_ =	sdelay $0x4  }
0x3b: {  	v5, _, _ =	vpop (xrf0)  }
0x3c: {  	v6 =	vxor.u32 $0x80000000, v5;
	v7, _, _ =	vpop (xrf0)  }
0x3d: {  	v8 =	vmov s2;
	(xrf0) =	vmax.scan.msk.u32 $0xffff, v6;
	v6 =	vxor.u32 $0x80000000, v7  }
0x3e: {  	(xrf0) =	vmax.scan.msk.u32 $0xffff, v6;
	v6 =	vadd.s32 $0xFFFFFFFF, v8  }
0x3f: {  	v6 =	vbroadcast v6, $0x0;
	_ =	sdelay $0x1  }
0x40: {  	v5 =	vadd.s32 v5, v6;
	v6 =	vadd.s32 v7, v6  }
0x41: {  	v5 =	vnsel vm0, $0x0, v5;
	vm2 =	vlt.s32 v6, $0x80  }
0x42: {  	v7, _, _ =	vpop (xrf0);
	vm1 =	vmand vm1, vm2  }
0x43: {  	(v2sf) =	vpush v7, $0xF;
	v7, _, _ =	vpop (xrf0);
	v6 =	vnsel vm1, $0x0, v6  }
0x44: {  	(v2sf) =	vpush v7, $0xF;
	_ =	sdelay $0x1  }
0x45: {  	v7 =	vor.u32 s10, v2;
	[tilespmem:v5+s13+$0x0] =	vst.idx.msk vm0, v4  }
0x46: {  	[tilespmem:v5+s14+$0x0] =	vst.idx.msk vm0, v7  }
0x47: {  	[tilespmem:v6+s15+$0x0] =	vst.idx.msk vm1, v4  }
0x48: {  	s30 =	simm.s32 $0x10;
	[tilespmem:v6+s16+$0x0] =	vst.idx.msk vm1, v7  }
0x49: {  	v4 =	vld [tilespmem:s30+$0x80];
	_ =	sdelay $0x4  }
0x4a: {  	vm0 =	vgt.s32 v4, v3  }
0x4b: {  	vm1 =	veq.s32 v4, v3;
	v5 =	vsel vm0, $0x1, v1  }
0x4c: {  	v6 =	vsel vm1, $0x1, v1;
	(xrf0) =	vadd.scan.msk.s32 $0xffff, v5  }
0x4d: {  	s23 =	simm.s32 $0x80;
	s19 =	simm.s32 $0x0;
	s31 =	spop (v2sf);
	(xrf0) =	vadd.scan.msk.s32 $0xffff, v6  }
0x4e: {  	s18 =	sadd.s32 $0x10, s10;
	s20 =	sadd.s32 $0x0, s31;
	s22 =	spop (v2sf)  }
.LBB2_2:
0x4f: {  	s20 =	sadd.s32 $0x80000000, s20  }
0x50: {  	s19 =	sadd.s32 s22, s19;
	s22 =	smov.u32 s23;
	s21 =	sadd.s32 $0x40, s23  }
0x51: {  	p0 =	sne.s32 s23, $0x31C0;
	v5 =	vmov s20;
	s19 =	sadd.s32 $0x80000000, s19  }
0x52: {  	v5 =	vadd.s32 $0xFFFFFFFF, v5;
	v6 =	vmov s19;
	v7, _, _ =	vpop (xrf0)  }
0x53: {  	v5 =	vbroadcast v5, $0x0;
	v6 =	vadd.s32 $0xFFFFFFFF, v6;
	v8 =	vxor.u32 $0x80000000, v7;
	v9, _, _ =	vpop (xrf0)  }
0x54: {  	v6 =	vbroadcast v6, $0x0;
	v10 =	vxor.u32 $0x80000000, v9;
	(xrf0) =	vmax.scan.msk.u32 $0xffff, v8  }
0x55: {  	v5 =	vadd.s32 v7, v5;
	(xrf0) =	vmax.scan.msk.u32 $0xffff, v10  }
0x56: {  	v6 =	vadd.s32 v9, v6;
	v5 =	vnsel vm0, $0x0, v5  }
0x57: {  	vm2 =	vlt.s32 v6, $0x80  }
0x58: {  	vm1 =	vmand vm1, vm2  }
0x59: {  	v6 =	vnsel vm1, $0x0, v6  }
0x5a: {  	v7, _, _ =	vpop (xrf0)  }
0x5b: {  	v8 =	vor.u32 s18, v2;
	[tilespmem:v5+s13+$0x0] =	vst.idx.msk vm0, v4;
	(v2sf) =	vpush v7, $0xF;
	v7, _, _ =	vpop (xrf0)  }
0x5c: {  	[tilespmem:v5+s14+$0x0] =	vst.idx.msk vm0, v8;
	(v2sf) =	vpush v7, $0xF;
	_ =	sdelay $0x1  }
0x5d: {  	[tilespmem:v6+s15+$0x0] =	vst.idx.msk vm1, v4  }
0x5e: {  	[tilespmem:v6+s16+$0x0] =	vst.idx.msk vm1, v8  }
0x5f: {  	s22 =	sshra.s32 s22, $0x2  }
0x60: {  	v4 =	vld [tilespmem:s22+$0x80];
	_ =	sdelay $0x4  }
0x61: {  	vm0 =	vgt.s32 v4, v3;
	vm1 =	veq.s32 v4, v3  }
.Ltmp0:
0x62: {  	v5 =	vsel vm0, $0x1, v1;
	v6 =	vsel vm1, $0x1, v1;
	(pc) =	sbr.rel @p0 .LBB2_2-.Ltmp0, $4  }
0x63: {  	(xrf0) =	vadd.scan.msk.s32 $0xffff, v5  }
0x64: {  	(xrf0) =	vadd.scan.msk.s32 $0xffff, v6  }
0x65: {  	s23 =	smov.u32 s21;
	s22 =	spop (v2sf)  }
0x66: {  	s18 =	sadd.s32 $0x10, s18;
	s20 =	sadd.s32 s22, s20;
	s22 =	spop (v2sf)  }
0x67: {  	_ =	sdelay $0x1  }
0x68: {  	v3, _, _ =	vpop (xrf0)  }
0x69: {  	v5 =	vxor.u32 $0x80000000, v3;
	v6, _, _ =	vpop (xrf0)  }
0x6a: {  	v7 =	vxor.u32 $0x80000000, v6;
	(xrf0) =	vmax.scan.msk.u32 $0xffff, v5  }
0x6b: {  	(xrf0) =	vmax.scan.msk.u32 $0xffff, v7;
	_ =	sdelay $0x3  }
0x6c: {  	s19 =	sadd.s32 s22, s19  }
0x6d: {  	s20 =	sadd.s32 $0x80000000, s20;
	s19 =	sadd.s32 $0x80000000, s19;
	v5, _, _ =	vpop (xrf0)  }
0x6e: {  	v60 =	vmov s20;
	v61 =	vmov s19;
	(v2sf) =	vpush v5, $0xF;
	v59, _, _ =	vpop (xrf0)  }
0x6f: {  	v7 =	vadd.s32 $0xFFFFFFFF, v61;
	v5 =	vadd.s32 $0xFFFFFFFF, v60;
	(v2sf) =	vpush v59, $0xF  }
0x70: {  	v7 =	vbroadcast v7, $0x0;
	v5 =	vbroadcast v5, $0x0;
	_ =	sdelay $0x1  }
0x71: {  	v62 =	vadd.s32 v6, v7;
	v3 =	vadd.s32 v3, v5  }
0x72: {  	vm2 =	vlt.s32 v62, $0x80;
	v3 =	vnsel vm0, $0x0, v3  }
0x73: {  	vm1 =	vmand vm1, vm2  }
0x74: {  	v5 =	vnsel vm1, $0x0, v62;
	_ =	sdelay $0x2  }
0x75: {  	v63 =	vor.u32 s18, v2;
	[tilespmem:v3+s13+$0x0] =	vst.idx.msk vm0, v4  }
0x76: {  	[tilespmem:v3+s14+$0x0] =	vst.idx.msk vm0, v63  }
0x77: {  	[tilespmem:v5+s15+$0x0] =	vst.idx.msk vm1, v4  }
0x78: {  	[tilespmem:v5+s16+$0x0] =	vst.idx.msk vm1, v63  }
0x79: {  	[hbm4b:s5+s2] =	stream.linear.scatter [tilespmem:s13], [sflag:$0x1], $0x80, $0x38;
	[tilespmem:$0xF00] =	vst v63  }
0x7a: {  	s30 =	spop (v2sf)  }
0x7b: {  	s31 =	spop (v2sf)  }
0x7c: {  	_ =	swait.ge [sflag:s12], $0x80  }
0x7d: {  	[sflag:s12] =	ssyncset.done $0x0  }
0x7e: {  	[sflag:s12] =	ssyncadd.s32 $0xFFFFFF80  }
0x7f: {  	[hbm4b:s6+s2] =	stream.linear.scatter [tilespmem:s15], [sflag:$0x1], $0x80, $0x38;
	[tilespmem:$0xF00] =	vst v63  }
0x80: {  	_ =	swait.ge [sflag:s12], $0x80  }
0x81: {  	[sflag:s12] =	ssyncset.done $0x0  }
0x82: {  	[sflag:s12] =	ssyncadd.s32 $0xFFFFFF80  }
0x83: {  	[hbm4b:s7+s2] =	stream.linear.scatter [tilespmem:s14], [sflag:$0x1], $0x80, $0x38;
	[tilespmem:$0xF00] =	vst v63  }
0x84: {  	s17 =	sadd.s32 $0x1, s17;
	_ =	swait.ge [sflag:s12], $0x80  }
0x85: {  	p0 =	sne.s32 s17, s9;
	[sflag:s12] =	ssyncset.done $0x0  }
.Ltmp1:
0x86: {  	[sflag:s12] =	ssyncadd.s32 $0xFFFFFF80;
	(pc) =	sbr.rel @p0 .LBB2_1-.Ltmp1, $4  }
0x87: {  	[hbm4b:s8+s2] =	stream.linear.scatter [tilespmem:s16], [sflag:$0x1], $0x80, $0x38;
	[tilespmem:$0xF00] =	vst v63  }
0x88: {  	_ =	swait.ge [sflag:s12], $0x80  }
0x89: {  	[sflag:s12] =	ssyncset.done $0x0  }
0x8a: {  	[sflag:s12] =	ssyncadd.s32 $0xFFFFFF80  }
0x8b: {  	_ =	sfence.sel $0x180000  }
0x8c: {  	[bflag:$0x0] =	sbarrier.arrive $0xFFFF  }
0x8d: {  	p0 =	sne.s32 s0, $0x0;
	_ =	strace $0x90000047  }
0x8e: {  	s0 =	sadd.s32 @!p0 $0x100000, s1;
	[bflag:$0x2] =	sbarrier.arrive $0xFFFF  }
0x8f: {  	[sflag:s0] =	ssyncadd.tile.s32 @!p0 $0x1;
	_ =	shalt  }
.Lfunc_end2:
_tile_overlayer_lowered:
.L_overlay_start_2:
0x90: {  	(tag) =	ssettag $0x2  }
0x91: {  	s0 =	rddreg [dreg:$0x0];
	s2 =	stileid.u32  }
0x92: {  	s1 =	rddreg [dreg:$0x1];
	p0 =	sne.s32 s2, $0x0  }
0x93: {  	s3 =	rddreg [dreg:$0x2];
	[bflag:$0x3] =	sbarrier.arrive $0xFFFF;
	s2 =	simm.s32 @!p0 $0x1C01  }
0x94: {  	[timem:s3], [sflag:s2] =	dma.local @!p0 [hbm:s0], s1  }
0x95: {  	s0 =	simm.s32 @!p0 $0x1  }
0x96: {  	_ =	swait.ge @!p0 [sflag:s0], s1  }
0x97: {  	s1 =	ssub.s32 @!p0 $0x0, s1;
	[sflag:s0] =	ssyncset.done @!p0 $0x0  }
0x98: {  	[sflag:s0] =	ssyncadd.s32 @!p0 s1  }
0x99: {  	[bflag:$0x3] =	sbarrier.arrive $0xFFFF  }
0x9a: {  	_ =	shalt  }

</sc_bundles>
